<compile_context>
chip_gen: v7x
topology: tpu7x:2x2x1
jax: 0.10.2.dev20260603
libtpu: 0.0.44.dev20260713+nightly
codegen_flags: <defaults>
</compile_context>

<pallas_src>
import functools

import jax
import jax.numpy as jnp
from jax.experimental import pallas as pl
from jax.experimental.pallas import tpu as pltpu
from jax.experimental.pallas import tpu_sc as plsc

B, S, D = 2, 2048, 768
NF, DFE, DE, DR, E, K = 32, 32, 128, 128, 8, 2
DIN = D + DFE
BLK = 512
NBLK = (B * S) // BLK
BLKS_PER_BATCH = S // BLK


def _moe_body(seq_ref, hidden_ref, feat_ref,
              w_feat_ref, b_feat_ref,
              w_r1_ref, b_r1_ref, w_r2_ref, b_r2_ref,
              w_e1_ref, b_e1_ref, w_e2_ref, b_e2_ref,
              next_ref, delta_ref, gate_w_ref, gate_l_ref, aux_ref,
              ah_scr, af_scr, b2_scr):
    i = pl.program_id(0)
    batch = i // BLKS_PER_BATCH
    pos0 = (i % BLKS_PER_BATCH) * BLK
    seq_len = seq_ref[batch]
    bf = jnp.bfloat16

    @pl.when(i == 0)
    def _():
        for e in range(E):
            blk = w_e1_ref[pl.ds(e * DIN, DIN), :].astype(bf)
            ah_scr[:, pl.ds(e * DE, DE)] = blk[:D, :]
            af_scr[:, pl.ds(e * DE, DE)] = blk[D:, :]
        b2_scr[...] = w_e2_ref[...].astype(bf)

    hidden = hidden_ref[...]
    feat = feat_ref[...]

    f = jax.nn.gelu(feat @ w_feat_ref[...] + b_feat_ref[...])

    r = jax.nn.gelu(hidden @ w_r1_ref[:D, :] + f @ w_r1_ref[D:, :]
                    + b_r1_ref[...])
    gl = jax.lax.dot_general(w_r2_ref[...], r, (((0,), (1,)), ((), ())),
                             preferred_element_type=jnp.float32)
    gl = gl + b_r2_ref[...]
    gate_l_ref[...] = gl

    iota_e = jax.lax.broadcasted_iota(jnp.int32, (E, BLK), 0)
    m1 = jnp.max(gl, axis=0, keepdims=True)
    i1 = jnp.min(jnp.where(gl == m1, iota_e, E), axis=0, keepdims=True)
    neg = jnp.finfo(jnp.float32).min
    masked = jnp.where(iota_e == i1, neg, gl)
    m2 = jnp.max(masked, axis=0, keepdims=True)
    i2 = jnp.min(jnp.where(masked == m2, iota_e, E), axis=0, keepdims=True)
    e21 = jnp.exp(m2 - m1)
    w1 = 1.0 / (1.0 + e21)
    w2 = 1.0 - w1
    gate_w = (jnp.where(iota_e == i1, w1, 0.0)
              + jnp.where(iota_e == i2, w2, 0.0))
    gate_w_ref[...] = gate_w

    @pl.when(i == 0)
    def _():
        aux_ref[...] = jnp.zeros_like(aux_ref)
    aux_ref[...] += jnp.sum(gate_w, axis=1, keepdims=True) * (1.0 / (B * S))

    iota_t = jax.lax.broadcasted_iota(jnp.int32, (1, BLK), 1) + pos0
    tok_mask = (iota_t < seq_len).astype(jnp.float32)

    @pl.when(pos0 < seq_len)
    def _():
        gw_eff = gate_w * tok_mask
        h1 = jnp.dot(hidden.astype(bf), ah_scr[...],
                     preferred_element_type=jnp.float32)
        h2 = jnp.dot(f.astype(bf), af_scr[...],
                     preferred_element_type=jnp.float32)
        h = jax.nn.gelu(h1 + h2 + b_e1_ref[...])
        expand = (jax.lax.broadcasted_iota(jnp.int32, (E, E * DE), 1) // DE
                  == jax.lax.broadcasted_iota(jnp.int32, (E, E * DE), 0)
                  ).astype(jnp.float32)
        ge = jax.lax.dot_general(gw_eff, expand, (((0,), (0,)), ((), ())),
                                 preferred_element_type=jnp.float32)
        hg = (h * ge).astype(bf)
        comb = (jnp.dot(hg, b2_scr[...], preferred_element_type=jnp.float32)
                + jax.lax.dot_general(gw_eff, b_e2_ref[...],
                                      (((0,), (0,)), ((), ())),
                                      preferred_element_type=jnp.float32))
        delta_ref[...] = comb
        next_ref[...] = hidden + comb

    @pl.when(pos0 >= seq_len)
    def _():
        delta_ref[...] = jnp.zeros_like(delta_ref)
        next_ref[...] = hidden


_NW = 32
_TCH = (B * S) // (_NW // E)
_JCH = 128


def _gate_tr_body(gw_hbm, gl_hbm, idx_hbm, gw_out, gl_out,
                  seg_v, idx_v):
    wid = jax.lax.axis_index("s") * 2 + jax.lax.axis_index("c")
    e = wid % E
    t0 = (wid // E) * _TCH
    for src_hbm, dst_hbm in ((gw_hbm, gw_out), (gl_hbm, gl_out)):
        pltpu.sync_copy(src_hbm.at[e, pl.ds(t0, _TCH)], seg_v)
        for j in range(_TCH // _JCH):
            pltpu.sync_copy(idx_hbm.at[e, pl.ds(t0 + j * _JCH, _JCH)], idx_v)
            pltpu.sync_copy(seg_v.at[pl.ds(j * _JCH, _JCH)],
                            dst_hbm.at[idx_v])


def _gate_relayout(gw_t, gl_t):
    idx = (jnp.arange(B * S, dtype=jnp.int32)[None, :] * E
           + jnp.arange(E, dtype=jnp.int32)[:, None])
    mesh = plsc.VectorSubcoreMesh(core_axis_name="c", subcore_axis_name="s")
    k = functools.partial(
        pl.kernel,
        mesh=mesh,
        out_type=[
            jax.ShapeDtypeStruct((B * S * E,), jnp.float32),
            jax.ShapeDtypeStruct((B * S * E,), jnp.float32),
        ],
        scratch_types=[
            pltpu.VMEM((_TCH,), jnp.float32),
            pltpu.VMEM((_JCH,), jnp.int32),
        ],
    )(_gate_tr_body)
    return k(gw_t, gl_t, idx)


@functools.partial(jax.jit, static_argnames=())
def kernel(hidden, feat, item_seq_len, W_feat, b_feat, W_r1, b_r1, W_r2,
           b_r2, W_e1, b_e1, W_e2, b_e2):
    hidden2 = hidden.reshape(B * S, D)
    feat2 = feat.reshape(B * S, NF)
    seq = item_seq_len.astype(jnp.int32)

    full = lambda shape: pl.BlockSpec(shape, lambda i: (0,) * len(shape))

    out = pl.pallas_call(
        _moe_body,
        grid=(NBLK,),
        in_specs=[
            pl.BlockSpec(memory_space=pltpu.SMEM),
            pl.BlockSpec((BLK, D), lambda i: (i, 0)),
            pl.BlockSpec((BLK, NF), lambda i: (i, 0)),
            full((NF, DFE)), full((DFE,)),
            full((DIN, DR)), full((DR,)),
            full((DR, E)), full((E, 1)),
            full((E * DIN, DE)), full((1, E * DE)),
            full((E * DE, D)), full((E, D)),
        ],
        out_specs=[
            pl.BlockSpec((BLK, D), lambda i: (i, 0)),
            pl.BlockSpec((BLK, D), lambda i: (i, 0)),
            pl.BlockSpec((E, BLK), lambda i: (0, i)),
            pl.BlockSpec((E, BLK), lambda i: (0, i)),
            pl.BlockSpec((E, 1), lambda i: (0, 0)),
        ],
        out_shape=[
            jax.ShapeDtypeStruct((B * S, D), jnp.float32),
            jax.ShapeDtypeStruct((B * S, D), jnp.float32),
            jax.ShapeDtypeStruct((E, B * S), jnp.float32),
            jax.ShapeDtypeStruct((E, B * S), jnp.float32),
            jax.ShapeDtypeStruct((E, 1), jnp.float32),
        ],
        scratch_shapes=[
            pltpu.VMEM((D, E * DE), jnp.bfloat16),
            pltpu.VMEM((DFE, E * DE), jnp.bfloat16),
            pltpu.VMEM((E * DE, D), jnp.bfloat16),
        ],
    )(seq, hidden2, feat2, W_feat, b_feat,
      W_r1, b_r1, W_r2, b_r2.reshape(E, 1),
      W_e1.reshape(E * DIN, DE), b_e1.reshape(1, E * DE),
      W_e2.reshape(E * DE, D), b_e2)

    next_h, delta, gate_w_t, gate_l_t, aux = out
    gate_w_f, gate_l_f = _gate_relayout(gate_w_t, gate_l_t)
    return (next_h.reshape(B, S, D), delta.reshape(B, S, D),
            gate_w_f.reshape(B, S, E), gate_l_f.reshape(B, S, E),
            aux.reshape(E))

# --- scband reference (transcript-rebuilt; emitter-appended) ---
"""Pipeline reference for scband-mo-estage-v2-21457656611372 (READ-ONLY COPY).

The authoritative reference and input builder live on the scoring server;
editing this copy changes nothing except your own understanding.
"""

import jax, jax.numpy as jnp
import numpy as np

B, S, D = 2, 2048, 768
NF, DFE, DE, DR, E, K = 32, 32, 128, 128, 8, 2
TEMP = 1.0


def setup_inputs(seed: int = 0) -> dict:
    key = jax.random.key(seed)
    ks = jax.random.split(key, 16)
    s = 0.02
    return {
        "hidden": jax.random.normal(ks[0], (B, S, D), dtype=jnp.float32),
        "feat": jax.random.normal(ks[1], (B, S, NF), dtype=jnp.float32),
        "item_seq_len": jax.random.randint(ks[2], (B,), 1, S + 1),
        "W_feat": jax.random.normal(ks[3], (NF, DFE), dtype=jnp.float32) * s,
        "b_feat": jnp.zeros((DFE,), dtype=jnp.float32),
        "W_r1": jax.random.normal(ks[4], (D + DFE, DR), dtype=jnp.float32) * s,
        "b_r1": jnp.zeros((DR,), dtype=jnp.float32),
        "W_r2": jax.random.normal(ks[5], (DR, E), dtype=jnp.float32) * s,
        "b_r2": jnp.zeros((E,), dtype=jnp.float32),
        "W_e1": jax.random.normal(ks[6], (E, D + DFE, DE), dtype=jnp.float32) * s,
        "b_e1": jnp.zeros((E, DE), dtype=jnp.float32),
        "W_e2": jax.random.normal(ks[7], (E, DE, D), dtype=jnp.float32) * s,
        "b_e2": jnp.zeros((E, D), dtype=jnp.float32),
    }


def reference(hidden, feat, item_seq_len, W_feat, b_feat, W_r1, b_r1, W_r2, b_r2, W_e1, b_e1, W_e2, b_e2):
    # feature embedding branch (router_use_feature / expert_use_feature)
    f = jax.nn.gelu(feat @ W_feat + b_feat)                      # [B,S,DFE]
    x = jnp.concatenate([hidden, f], axis=-1)                    # [B,S,D+DFE]
    # token-level router MLP with temperature
    gate_l = (jax.nn.gelu(x @ W_r1 + b_r1) @ W_r2 + b_r2) / TEMP # [B,S,E]
    topv, topi = jax.lax.top_k(gate_l, K)
    topw = jax.nn.softmax(topv, axis=-1)
    # scatter top-k weights back to dense gate matrix
    gate_w = jnp.sum(jax.nn.one_hot(topi, E, dtype=gate_l.dtype) * topw[..., None], axis=-2)  # [B,S,E]
    # experts: per-expert 2-layer MLP, combined by gate weights
    h = jax.nn.gelu(jnp.einsum('bsd,edh->bseh', x, W_e1) + b_e1)  # [B,S,E,DE]
    comb = jnp.einsum('bseh,ehd,bse->bsd', h, W_e2, gate_w)
    comb = comb + jnp.einsum('bse,ed->bsd', gate_w, b_e2)
    # mask padded positions using item_seq_len
    mask = (jnp.arange(S)[None, :] < item_seq_len[:, None]).astype(hidden.dtype)[..., None]
    delta = comb * mask
    next_hidden = hidden + delta
    aux_importance = gate_w.mean(axis=(0, 1))                    # router aux stat
    return next_hidden, delta, gate_w, gate_l, aux_importance

if __name__ == "__main__":
    import jax
    _d = setup_inputs()
    print(jax.jit(kernel)(*tuple(_d.values())))

</pallas_src>

<mosaic_0001>
#map = affine_map<(d0, d1) -> (0, 0)>
#map1 = affine_map<(d0, d1) -> (0)>
module attributes {stable_mosaic.version = 14 : i64} {
  func.func @_gate_tr_body(%arg0: i32, %arg1: i32, %arg2: memref<8x4096xf32, #tpu.memory_space<hbm>>, %arg3: memref<8x4096xf32, #tpu.memory_space<hbm>>, %arg4: memref<8x4096xi32, #tpu.memory_space<hbm>>, %arg5: memref<32768xf32, #tpu.memory_space<hbm>>, %arg6: memref<32768xf32, #tpu.memory_space<hbm>>, %arg7: memref<1024xf32, #tpu.memory_space<vmem>>, %arg8: memref<128xi32, #tpu.memory_space<vmem>>) attributes {dimension_semantics = [#tpu.dimension_semantics<core_parallel>, #tpu.dimension_semantics<subcore_parallel>], iteration_bounds = array<i64: 2, 16>, scalar_prefetch = 0 : i64, scratch_operands = 2 : i64, tpu.core_type = #tpu.core_type<sc_vector_subcore>, window_params = [{transform_indices = #map}, {transform_indices = #map}, {transform_indices = #map}, {transform_indices = #map1}, {transform_indices = #map1}]} {
    %mul3A = arith.constant 2 : i32
    %mul3A_0 = arith.muli %arg1, %mul3A : i32
    %add3A = arith.addi %mul3A_0, %arg0 : i32
    %jit3A = arith.constant 8 : i32
    %eq3A = arith.constant 0 : i32
    %eq3A_1 = arith.cmpi eq, %jit3A, %eq3A : i32
    %jit3A_2 = arith.constant 1 : i32
    %select_n3A = arith.select %eq3A_1, %jit3A_2, %jit3A : i32
    %rem3A = arith.remsi %add3A, %select_n3A : i32
    %ne3A = arith.constant 0 : i32
    %ne3A_3 = arith.cmpi ne, %rem3A, %ne3A : i32
    %lt3A = arith.constant 0 : i32
    %lt3A_4 = arith.cmpi slt, %rem3A, %lt3A : i32
    %lt3A_5 = arith.constant 0 : i32
    %lt3A_6 = arith.cmpi slt, %select_n3A, %lt3A_5 : i32
    %ne3A_7 = arith.xori %lt3A_4, %lt3A_6 : i1
    %and3A = arith.andi %ne3A_7, %ne3A_3 : i1
    %add3A_8 = arith.addi %rem3A, %select_n3A : i32
    %select_n3A_9 = arith.select %and3A, %add3A_8, %rem3A : i32
    %jit3A_10 = arith.constant 8 : i32
    %div3A = arith.divsi %add3A, %jit3A_10 : i32
    %sign3A = arith.constant 0 : i32
    %sign3A_11 = arith.cmpi sgt, %add3A, %sign3A : i32
    %sign3A_12 = arith.extui %sign3A_11 : i1 to i32
    %sign3A_13 = arith.constant 0 : i32
    %sign3A_14 = arith.cmpi slt, %add3A, %sign3A_13 : i32
    %sign3A_15 = arith.extui %sign3A_14 : i1 to i32
    %sign3A_16 = arith.subi %sign3A_12, %sign3A_15 : i32
    %sign3A_17 = arith.constant 0 : i32
    %sign3A_18 = arith.cmpi sgt, %jit3A_10, %sign3A_17 : i32
    %sign3A_19 = arith.extui %sign3A_18 : i1 to i32
    %sign3A_20 = arith.constant 0 : i32
    %sign3A_21 = arith.cmpi slt, %jit3A_10, %sign3A_20 : i32
    %sign3A_22 = arith.extui %sign3A_21 : i1 to i32
    %sign3A_23 = arith.subi %sign3A_19, %sign3A_22 : i32
    %ne3A_24 = arith.cmpi ne, %sign3A_16, %sign3A_23 : i32
    %rem3A_25 = arith.remsi %add3A, %jit3A_10 : i32
    %ne3A_26 = arith.constant 0 : i32
    %ne3A_27 = arith.cmpi ne, %rem3A_25, %ne3A_26 : i32
    %and3A_28 = arith.andi %ne3A_24, %ne3A_27 : i1
    %sub3A = arith.constant 1 : i32
    %sub3A_29 = arith.subi %div3A, %sub3A : i32
    %select_n3A_30 = arith.select %and3A_28, %sub3A_29, %div3A : i32
    %mul3A_31 = arith.constant 1024 : i32
    %mul3A_32 = arith.muli %select_n3A_30, %mul3A_31 : i32
    "tpu.region"() ({
      %run_scoped3A = tpu.sem_alloc : memref<!tpu.dma_semaphore, #tpu.memory_space<semaphore_mem>>
      %dma_start3A = tpu.memref_slice %arg2[%select_n3A_9, %mul3A_32] : memref<8x4096xf32, #tpu.memory_space<hbm>> -> memref<1x1024xf32, #tpu.memory_space<hbm>>
      %dma_start3A_65 = tpu.memref_squeeze %dma_start3A : memref<1x1024xf32, #tpu.memory_space<hbm>> -> memref<1024xf32, #tpu.memory_space<hbm>>
      %dma_start3A_66 = tpu.memref_slice %arg2[%select_n3A_9, %mul3A_32] : memref<8x4096xf32, #tpu.memory_space<hbm>> -> memref<1x1024xf32, #tpu.memory_space<hbm>>
      %dma_start3A_67 = tpu.memref_squeeze %dma_start3A_66 : memref<1x1024xf32, #tpu.memory_space<hbm>> -> memref<1024xf32, #tpu.memory_space<hbm>>
      tpu.enqueue_dma source(%dma_start3A_67 : memref<1024xf32, #tpu.memory_space<hbm>>) target(%arg7 : memref<1024xf32, #tpu.memory_space<vmem>>) target_semaphore(%run_scoped3A : memref<!tpu.dma_semaphore, #tpu.memory_space<semaphore_mem>>)
      %dma_wait3A = tpu.memref_slice %arg2[%select_n3A_9, %mul3A_32] : memref<8x4096xf32, #tpu.memory_space<hbm>> -> memref<1x1024xf32, #tpu.memory_space<hbm>>
      %dma_wait3A_68 = tpu.memref_squeeze %dma_wait3A : memref<1x1024xf32, #tpu.memory_space<hbm>> -> memref<1024xf32, #tpu.memory_space<hbm>>
      %dma_wait3A_69 = tpu.memref_slice %arg2[%select_n3A_9, %mul3A_32] : memref<8x4096xf32, #tpu.memory_space<hbm>> -> memref<1x1024xf32, #tpu.memory_space<hbm>>
      %dma_wait3A_70 = tpu.memref_squeeze %dma_wait3A_69 : memref<1x1024xf32, #tpu.memory_space<hbm>> -> memref<1024xf32, #tpu.memory_space<hbm>>
      tpu.wait_dma2 semaphore(%run_scoped3A : memref<!tpu.dma_semaphore, #tpu.memory_space<semaphore_mem>>) src(%dma_wait3A_70 : memref<1024xf32, #tpu.memory_space<hbm>>) dst(%arg7 : memref<1024xf32, #tpu.memory_space<vmem>>)
      tpu.yield
    }) : () -> ()
    %add3A_33 = arith.constant 0 : i32
    %add3A_34 = arith.addi %mul3A_32, %add3A_33 : i32
    "tpu.region"() ({
      %run_scoped3A = tpu.sem_alloc : memref<!tpu.dma_semaphore, #tpu.memory_space<semaphore_mem>>
      %dma_start3A = tpu.memref_slice %arg4[%select_n3A_9, %add3A_34] : memref<8x4096xi32, #tpu.memory_space<hbm>> -> memref<1x128xi32, #tpu.memory_space<hbm>>
      %dma_start3A_65 = tpu.memref_squeeze %dma_start3A : memref<1x128xi32, #tpu.memory_space<hbm>> -> memref<128xi32, #tpu.memory_space<hbm>>
      %dma_start3A_66 = tpu.memref_slice %arg4[%select_n3A_9, %add3A_34] : memref<8x4096xi32, #tpu.memory_space<hbm>> -> memref<1x128xi32, #tpu.memory_space<hbm>>
      %dma_start3A_67 = tpu.memref_squeeze %dma_start3A_66 : memref<1x128xi32, #tpu.memory_space<hbm>> -> memref<128xi32, #tpu.memory_space<hbm>>
      tpu.enqueue_dma source(%dma_start3A_67 : memref<128xi32, #tpu.memory_space<hbm>>) target(%arg8 : memref<128xi32, #tpu.memory_space<vmem>>) target_semaphore(%run_scoped3A : memref<!tpu.dma_semaphore, #tpu.memory_space<semaphore_mem>>)
      %dma_wait3A = tpu.memref_slice %arg4[%select_n3A_9, %add3A_34] : memref<8x4096xi32, #tpu.memory_space<hbm>> -> memref<1x128xi32, #tpu.memory_space<hbm>>
      %dma_wait3A_68 = tpu.memref_squeeze %dma_wait3A : memref<1x128xi32, #tpu.memory_space<hbm>> -> memref<128xi32, #tpu.memory_space<hbm>>
      %dma_wait3A_69 = tpu.memref_slice %arg4[%select_n3A_9, %add3A_34] : memref<8x4096xi32, #tpu.memory_space<hbm>> -> memref<1x128xi32, #tpu.memory_space<hbm>>
      %dma_wait3A_70 = tpu.memref_squeeze %dma_wait3A_69 : memref<1x128xi32, #tpu.memory_space<hbm>> -> memref<128xi32, #tpu.memory_space<hbm>>
      tpu.wait_dma2 semaphore(%run_scoped3A : memref<!tpu.dma_semaphore, #tpu.memory_space<semaphore_mem>>) src(%dma_wait3A_70 : memref<128xi32, #tpu.memory_space<hbm>>) dst(%arg8 : memref<128xi32, #tpu.memory_space<vmem>>)
      tpu.yield
    }) : () -> ()
    "tpu.region"() ({
      %run_scoped3A = tpu.sem_alloc : memref<!tpu.dma_semaphore, #tpu.memory_space<semaphore_mem>>
      %dma_start3A = arith.constant 0 : i32
      %dma_start3A_65 = tpu.memref_slice %arg7[%dma_start3A] : memref<1024xf32, #tpu.memory_space<vmem>> -> memref<128xf32, #tpu.memory_space<vmem>>
      %dma_start3A_66 = arith.constant 0 : i32
      %dma_start3A_67 = tpu.memref_slice %arg5[%dma_start3A_66] : memref<32768xf32, #tpu.memory_space<hbm>> -> memref<32768xf32, #tpu.memory_space<hbm>>
      tpu.enqueue_indirect_dma source(%dma_start3A_65 : memref<128xf32, #tpu.memory_space<vmem>>) target(%dma_start3A_67 : memref<32768xf32, #tpu.memory_space<hbm>>) offsets(%arg8 : memref<128xi32, #tpu.memory_space<vmem>>) semaphore(%run_scoped3A : memref<!tpu.dma_semaphore, #tpu.memory_space<semaphore_mem>>)
      %dma_wait3A = arith.constant 0 : i32
      %dma_wait3A_68 = tpu.memref_slice %arg7[%dma_wait3A] : memref<1024xf32, #tpu.memory_space<vmem>> -> memref<128xf32, #tpu.memory_space<vmem>>
      %dma_wait3A_69 = arith.constant 0 : i32
      %dma_wait3A_70 = tpu.memref_slice %arg5[%dma_wait3A_69] : memref<32768xf32, #tpu.memory_space<hbm>> -> memref<32768xf32, #tpu.memory_space<hbm>>
      tpu.wait_indirect_dma semaphore(%run_scoped3A : memref<!tpu.dma_semaphore, #tpu.memory_space<semaphore_mem>>) src(%dma_wait3A_68 : memref<128xf32, #tpu.memory_space<vmem>>) dst(%dma_wait3A_70 : memref<32768xf32, #tpu.memory_space<hbm>>)
      tpu.yield
    }) : () -> ()
    %add3A_35 = arith.constant 128 : i32
    %add3A_36 = arith.addi %mul3A_32, %add3A_35 : i32
    "tpu.region"() ({
      %run_scoped3A = tpu.sem_alloc : memref<!tpu.dma_semaphore, #tpu.memory_space<semaphore_mem>>
      %dma_start3A = tpu.memref_slice %arg4[%select_n3A_9, %add3A_36] : memref<8x4096xi32, #tpu.memory_space<hbm>> -> memref<1x128xi32, #tpu.memory_space<hbm>>
      %dma_start3A_65 = tpu.memref_squeeze %dma_start3A : memref<1x128xi32, #tpu.memory_space<hbm>> -> memref<128xi32, #tpu.memory_space<hbm>>
      %dma_start3A_66 = tpu.memref_slice %arg4[%select_n3A_9, %add3A_36] : memref<8x4096xi32, #tpu.memory_space<hbm>> -> memref<1x128xi32, #tpu.memory_space<hbm>>
      %dma_start3A_67 = tpu.memref_squeeze %dma_start3A_66 : memref<1x128xi32, #tpu.memory_space<hbm>> -> memref<128xi32, #tpu.memory_space<hbm>>
      tpu.enqueue_dma source(%dma_start3A_67 : memref<128xi32, #tpu.memory_space<hbm>>) target(%arg8 : memref<128xi32, #tpu.memory_space<vmem>>) target_semaphore(%run_scoped3A : memref<!tpu.dma_semaphore, #tpu.memory_space<semaphore_mem>>)
      %dma_wait3A = tpu.memref_slice %arg4[%select_n3A_9, %add3A_36] : memref<8x4096xi32, #tpu.memory_space<hbm>> -> memref<1x128xi32, #tpu.memory_space<hbm>>
      %dma_wait3A_68 = tpu.memref_squeeze %dma_wait3A : memref<1x128xi32, #tpu.memory_space<hbm>> -> memref<128xi32, #tpu.memory_space<hbm>>
      %dma_wait3A_69 = tpu.memref_slice %arg4[%select_n3A_9, %add3A_36] : memref<8x4096xi32, #tpu.memory_space<hbm>> -> memref<1x128xi32, #tpu.memory_space<hbm>>
      %dma_wait3A_70 = tpu.memref_squeeze %dma_wait3A_69 : memref<1x128xi32, #tpu.memory_space<hbm>> -> memref<128xi32, #tpu.memory_space<hbm>>
      tpu.wait_dma2 semaphore(%run_scoped3A : memref<!tpu.dma_semaphore, #tpu.memory_space<semaphore_mem>>) src(%dma_wait3A_70 : memref<128xi32, #tpu.memory_space<hbm>>) dst(%arg8 : memref<128xi32, #tpu.memory_space<vmem>>)
      tpu.yield
    }) : () -> ()
    "tpu.region"() ({
      %run_scoped3A = tpu.sem_alloc : memref<!tpu.dma_semaphore, #tpu.memory_space<semaphore_mem>>
      %dma_start3A = arith.constant 128 : i32
      %dma_start3A_65 = tpu.memref_slice %arg7[%dma_start3A] : memref<1024xf32, #tpu.memory_space<vmem>> -> memref<128xf32, #tpu.memory_space<vmem>>
      %dma_start3A_66 = arith.constant 0 : i32
      %dma_start3A_67 = tpu.memref_slice %arg5[%dma_start3A_66] : memref<32768xf32, #tpu.memory_space<hbm>> -> memref<32768xf32, #tpu.memory_space<hbm>>
      tpu.enqueue_indirect_dma source(%dma_start3A_65 : memref<128xf32, #tpu.memory_space<vmem>>) target(%dma_start3A_67 : memref<32768xf32, #tpu.memory_space<hbm>>) offsets(%arg8 : memref<128xi32, #tpu.memory_space<vmem>>) semaphore(%run_scoped3A : memref<!tpu.dma_semaphore, #tpu.memory_space<semaphore_mem>>)
      %dma_wait3A = arith.constant 128 : i32
      %dma_wait3A_68 = tpu.memref_slice %arg7[%dma_wait3A] : memref<1024xf32, #tpu.memory_space<vmem>> -> memref<128xf32, #tpu.memory_space<vmem>>
      %dma_wait3A_69 = arith.constant 0 : i32
      %dma_wait3A_70 = tpu.memref_slice %arg5[%dma_wait3A_69] : memref<32768xf32, #tpu.memory_space<hbm>> -> memref<32768xf32, #tpu.memory_space<hbm>>
      tpu.wait_indirect_dma semaphore(%run_scoped3A : memref<!tpu.dma_semaphore, #tpu.memory_space<semaphore_mem>>) src(%dma_wait3A_68 : memref<128xf32, #tpu.memory_space<vmem>>) dst(%dma_wait3A_70 : memref<32768xf32, #tpu.memory_space<hbm>>)
      tpu.yield
    }) : () -> ()
    %add3A_37 = arith.constant 256 : i32
    %add3A_38 = arith.addi %mul3A_32, %add3A_37 : i32
    "tpu.region"() ({
      %run_scoped3A = tpu.sem_alloc : memref<!tpu.dma_semaphore, #tpu.memory_space<semaphore_mem>>
      %dma_start3A = tpu.memref_slice %arg4[%select_n3A_9, %add3A_38] : memref<8x4096xi32, #tpu.memory_space<hbm>> -> memref<1x128xi32, #tpu.memory_space<hbm>>
      %dma_start3A_65 = tpu.memref_squeeze %dma_start3A : memref<1x128xi32, #tpu.memory_space<hbm>> -> memref<128xi32, #tpu.memory_space<hbm>>
      %dma_start3A_66 = tpu.memref_slice %arg4[%select_n3A_9, %add3A_38] : memref<8x4096xi32, #tpu.memory_space<hbm>> -> memref<1x128xi32, #tpu.memory_space<hbm>>
      %dma_start3A_67 = tpu.memref_squeeze %dma_start3A_66 : memref<1x128xi32, #tpu.memory_space<hbm>> -> memref<128xi32, #tpu.memory_space<hbm>>
      tpu.enqueue_dma source(%dma_start3A_67 : memref<128xi32, #tpu.memory_space<hbm>>) target(%arg8 : memref<128xi32, #tpu.memory_space<vmem>>) target_semaphore(%run_scoped3A : memref<!tpu.dma_semaphore, #tpu.memory_space<semaphore_mem>>)
      %dma_wait3A = tpu.memref_slice %arg4[%select_n3A_9, %add3A_38] : memref<8x4096xi32, #tpu.memory_space<hbm>> -> memref<1x128xi32, #tpu.memory_space<hbm>>
      %dma_wait3A_68 = tpu.memref_squeeze %dma_wait3A : memref<1x128xi32, #tpu.memory_space<hbm>> -> memref<128xi32, #tpu.memory_space<hbm>>
      %dma_wait3A_69 = tpu.memref_slice %arg4[%select_n3A_9, %add3A_38] : memref<8x4096xi32, #tpu.memory_space<hbm>> -> memref<1x128xi32, #tpu.memory_space<hbm>>
      %dma_wait3A_70 = tpu.memref_squeeze %dma_wait3A_69 : memref<1x128xi32, #tpu.memory_space<hbm>> -> memref<128xi32, #tpu.memory_space<hbm>>
      tpu.wait_dma2 semaphore(%run_scoped3A : memref<!tpu.dma_semaphore, #tpu.memory_space<semaphore_mem>>) src(%dma_wait3A_70 : memref<128xi32, #tpu.memory_space<hbm>>) dst(%arg8 : memref<128xi32, #tpu.memory_space<vmem>>)
      tpu.yield
    }) : () -> ()
    "tpu.region"() ({
      %run_scoped3A = tpu.sem_alloc : memref<!tpu.dma_semaphore, #tpu.memory_space<semaphore_mem>>
      %dma_start3A = arith.constant 256 : i32
      %dma_start3A_65 = tpu.memref_slice %arg7[%dma_start3A] : memref<1024xf32, #tpu.memory_space<vmem>> -> memref<128xf32, #tpu.memory_space<vmem>>
      %dma_start3A_66 = arith.constant 0 : i32
      %dma_start3A_67 = tpu.memref_slice %arg5[%dma_start3A_66] : memref<32768xf32, #tpu.memory_space<hbm>> -> memref<32768xf32, #tpu.memory_space<hbm>>
      tpu.enqueue_indirect_dma source(%dma_start3A_65 : memref<128xf32, #tpu.memory_space<vmem>>) target(%dma_start3A_67 : memref<32768xf32, #tpu.memory_space<hbm>>) offsets(%arg8 : memref<128xi32, #tpu.memory_space<vmem>>) semaphore(%run_scoped3A : memref<!tpu.dma_semaphore, #tpu.memory_space<semaphore_mem>>)
      %dma_wait3A = arith.constant 256 : i32
      %dma_wait3A_68 = tpu.memref_slice %arg7[%dma_wait3A] : memref<1024xf32, #tpu.memory_space<vmem>> -> memref<128xf32, #tpu.memory_space<vmem>>
      %dma_wait3A_69 = arith.constant 0 : i32
      %dma_wait3A_70 = tpu.memref_slice %arg5[%dma_wait3A_69] : memref<32768xf32, #tpu.memory_space<hbm>> -> memref<32768xf32, #tpu.memory_space<hbm>>
      tpu.wait_indirect_dma semaphore(%run_scoped3A : memref<!tpu.dma_semaphore, #tpu.memory_space<semaphore_mem>>) src(%dma_wait3A_68 : memref<128xf32, #tpu.memory_space<vmem>>) dst(%dma_wait3A_70 : memref<32768xf32, #tpu.memory_space<hbm>>)
      tpu.yield
    }) : () -> ()
    %add3A_39 = arith.constant 384 : i32
    %add3A_40 = arith.addi %mul3A_32, %add3A_39 : i32
    "tpu.region"() ({
      %run_scoped3A = tpu.sem_alloc : memref<!tpu.dma_semaphore, #tpu.memory_space<semaphore_mem>>
      %dma_start3A = tpu.memref_slice %arg4[%select_n3A_9, %add3A_40] : memref<8x4096xi32, #tpu.memory_space<hbm>> -> memref<1x128xi32, #tpu.memory_space<hbm>>
      %dma_start3A_65 = tpu.memref_squeeze %dma_start3A : memref<1x128xi32, #tpu.memory_space<hbm>> -> memref<128xi32, #tpu.memory_space<hbm>>
      %dma_start3A_66 = tpu.memref_slice %arg4[%select_n3A_9, %add3A_40] : memref<8x4096xi32, #tpu.memory_space<hbm>> -> memref<1x128xi32, #tpu.memory_space<hbm>>
      %dma_start3A_67 = tpu.memref_squeeze %dma_start3A_66 : memref<1x128xi32, #tpu.memory_space<hbm>> -> memref<128xi32, #tpu.memory_space<hbm>>
      tpu.enqueue_dma source(%dma_start3A_67 : memref<128xi32, #tpu.memory_space<hbm>>) target(%arg8 : memref<128xi32, #tpu.memory_space<vmem>>) target_semaphore(%run_scoped3A : memref<!tpu.dma_semaphore, #tpu.memory_space<semaphore_mem>>)
      %dma_wait3A = tpu.memref_slice %arg4[%select_n3A_9, %add3A_40] : memref<8x4096xi32, #tpu.memory_space<hbm>> -> memref<1x128xi32, #tpu.memory_space<hbm>>
      %dma_wait3A_68 = tpu.memref_squeeze %dma_wait3A : memref<1x128xi32, #tpu.memory_space<hbm>> -> memref<128xi32, #tpu.memory_space<hbm>>
      %dma_wait3A_69 = tpu.memref_slice %arg4[%select_n3A_9, %add3A_40] : memref<8x4096xi32, #tpu.memory_space<hbm>> -> memref<1x128xi32, #tpu.memory_space<hbm>>
      %dma_wait3A_70 = tpu.memref_squeeze %dma_wait3A_69 : memref<1x128xi32, #tpu.memory_space<hbm>> -> memref<128xi32, #tpu.memory_space<hbm>>
      tpu.wait_dma2 semaphore(%run_scoped3A : memref<!tpu.dma_semaphore, #tpu.memory_space<semaphore_mem>>) src(%dma_wait3A_70 : memref<128xi32, #tpu.memory_space<hbm>>) dst(%arg8 : memref<128xi32, #tpu.memory_space<vmem>>)
      tpu.yield
    }) : () -> ()
    "tpu.region"() ({
      %run_scoped3A = tpu.sem_alloc : memref<!tpu.dma_semaphore, #tpu.memory_space<semaphore_mem>>
      %dma_start3A = arith.constant 384 : i32
      %dma_start3A_65 = tpu.memref_slice %arg7[%dma_start3A] : memref<1024xf32, #tpu.memory_space<vmem>> -> memref<128xf32, #tpu.memory_space<vmem>>
      %dma_start3A_66 = arith.constant 0 : i32
      %dma_start3A_67 = tpu.memref_slice %arg5[%dma_start3A_66] : memref<32768xf32, #tpu.memory_space<hbm>> -> memref<32768xf32, #tpu.memory_space<hbm>>
      tpu.enqueue_indirect_dma source(%dma_start3A_65 : memref<128xf32, #tpu.memory_space<vmem>>) target(%dma_start3A_67 : memref<32768xf32, #tpu.memory_space<hbm>>) offsets(%arg8 : memref<128xi32, #tpu.memory_space<vmem>>) semaphore(%run_scoped3A : memref<!tpu.dma_semaphore, #tpu.memory_space<semaphore_mem>>)
      %dma_wait3A = arith.constant 384 : i32
      %dma_wait3A_68 = tpu.memref_slice %arg7[%dma_wait3A] : memref<1024xf32, #tpu.memory_space<vmem>> -> memref<128xf32, #tpu.memory_space<vmem>>
      %dma_wait3A_69 = arith.constant 0 : i32
      %dma_wait3A_70 = tpu.memref_slice %arg5[%dma_wait3A_69] : memref<32768xf32, #tpu.memory_space<hbm>> -> memref<32768xf32, #tpu.memory_space<hbm>>
      tpu.wait_indirect_dma semaphore(%run_scoped3A : memref<!tpu.dma_semaphore, #tpu.memory_space<semaphore_mem>>) src(%dma_wait3A_68 : memref<128xf32, #tpu.memory_space<vmem>>) dst(%dma_wait3A_70 : memref<32768xf32, #tpu.memory_space<hbm>>)
      tpu.yield
    }) : () -> ()
    %add3A_41 = arith.constant 512 : i32
    %add3A_42 = arith.addi %mul3A_32, %add3A_41 : i32
    "tpu.region"() ({
      %run_scoped3A = tpu.sem_alloc : memref<!tpu.dma_semaphore, #tpu.memory_space<semaphore_mem>>
      %dma_start3A = tpu.memref_slice %arg4[%select_n3A_9, %add3A_42] : memref<8x4096xi32, #tpu.memory_space<hbm>> -> memref<1x128xi32, #tpu.memory_space<hbm>>
      %dma_start3A_65 = tpu.memref_squeeze %dma_start3A : memref<1x128xi32, #tpu.memory_space<hbm>> -> memref<128xi32, #tpu.memory_space<hbm>>
      %dma_start3A_66 = tpu.memref_slice %arg4[%select_n3A_9, %add3A_42] : memref<8x4096xi32, #tpu.memory_space<hbm>> -> memref<1x128xi32, #tpu.memory_space<hbm>>
      %dma_start3A_67 = tpu.memref_squeeze %dma_start3A_66 : memref<1x128xi32, #tpu.memory_space<hbm>> -> memref<128xi32, #tpu.memory_space<hbm>>
      tpu.enqueue_dma source(%dma_start3A_67 : memref<128xi32, #tpu.memory_space<hbm>>) target(%arg8 : memref<128xi32, #tpu.memory_space<vmem>>) target_semaphore(%run_scoped3A : memref<!tpu.dma_semaphore, #tpu.memory_space<semaphore_mem>>)
      %dma_wait3A = tpu.memref_slice %arg4[%select_n3A_9, %add3A_42] : memref<8x4096xi32, #tpu.memory_space<hbm>> -> memref<1x128xi32, #tpu.memory_space<hbm>>
      %dma_wait3A_68 = tpu.memref_squeeze %dma_wait3A : memref<1x128xi32, #tpu.memory_space<hbm>> -> memref<128xi32, #tpu.memory_space<hbm>>
      %dma_wait3A_69 = tpu.memref_slice %arg4[%select_n3A_9, %add3A_42] : memref<8x4096xi32, #tpu.memory_space<hbm>> -> memref<1x128xi32, #tpu.memory_space<hbm>>
      %dma_wait3A_70 = tpu.memref_squeeze %dma_wait3A_69 : memref<1x128xi32, #tpu.memory_space<hbm>> -> memref<128xi32, #tpu.memory_space<hbm>>
      tpu.wait_dma2 semaphore(%run_scoped3A : memref<!tpu.dma_semaphore, #tpu.memory_space<semaphore_mem>>) src(%dma_wait3A_70 : memref<128xi32, #tpu.memory_space<hbm>>) dst(%arg8 : memref<128xi32, #tpu.memory_space<vmem>>)
      tpu.yield
    }) : () -> ()
    "tpu.region"() ({
      %run_scoped3A = tpu.sem_alloc : memref<!tpu.dma_semaphore, #tpu.memory_space<semaphore_mem>>
      %dma_start3A = arith.constant 512 : i32
      %dma_start3A_65 = tpu.memref_slice %arg7[%dma_start3A] : memref<1024xf32, #tpu.memory_space<vmem>> -> memref<128xf32, #tpu.memory_space<vmem>>
      %dma_start3A_66 = arith.constant 0 : i32
      %dma_start3A_67 = tpu.memref_slice %arg5[%dma_start3A_66] : memref<32768xf32, #tpu.memory_space<hbm>> -> memref<32768xf32, #tpu.memory_space<hbm>>
      tpu.enqueue_indirect_dma source(%dma_start3A_65 : memref<128xf32, #tpu.memory_space<vmem>>) target(%dma_start3A_67 : memref<32768xf32, #tpu.memory_space<hbm>>) offsets(%arg8 : memref<128xi32, #tpu.memory_space<vmem>>) semaphore(%run_scoped3A : memref<!tpu.dma_semaphore, #tpu.memory_space<semaphore_mem>>)
      %dma_wait3A = arith.constant 512 : i32
      %dma_wait3A_68 = tpu.memref_slice %arg7[%dma_wait3A] : memref<1024xf32, #tpu.memory_space<vmem>> -> memref<128xf32, #tpu.memory_space<vmem>>
      %dma_wait3A_69 = arith.constant 0 : i32
      %dma_wait3A_70 = tpu.memref_slice %arg5[%dma_wait3A_69] : memref<32768xf32, #tpu.memory_space<hbm>> -> memref<32768xf32, #tpu.memory_space<hbm>>
      tpu.wait_indirect_dma semaphore(%run_scoped3A : memref<!tpu.dma_semaphore, #tpu.memory_space<semaphore_mem>>) src(%dma_wait3A_68 : memref<128xf32, #tpu.memory_space<vmem>>) dst(%dma_wait3A_70 : memref<32768xf32, #tpu.memory_space<hbm>>)
      tpu.yield
    }) : () -> ()
    %add3A_43 = arith.constant 640 : i32
    %add3A_44 = arith.addi %mul3A_32, %add3A_43 : i32
    "tpu.region"() ({
      %run_scoped3A = tpu.sem_alloc : memref<!tpu.dma_semaphore, #tpu.memory_space<semaphore_mem>>
      %dma_start3A = tpu.memref_slice %arg4[%select_n3A_9, %add3A_44] : memref<8x4096xi32, #tpu.memory_space<hbm>> -> memref<1x128xi32, #tpu.memory_space<hbm>>
      %dma_start3A_65 = tpu.memref_squeeze %dma_start3A : memref<1x128xi32, #tpu.memory_space<hbm>> -> memref<128xi32, #tpu.memory_space<hbm>>
      %dma_start3A_66 = tpu.memref_slice %arg4[%select_n3A_9, %add3A_44] : memref<8x4096xi32, #tpu.memory_space<hbm>> -> memref<1x128xi32, #tpu.memory_space<hbm>>
      %dma_start3A_67 = tpu.memref_squeeze %dma_start3A_66 : memref<1x128xi32, #tpu.memory_space<hbm>> -> memref<128xi32, #tpu.memory_space<hbm>>
      tpu.enqueue_dma source(%dma_start3A_67 : memref<128xi32, #tpu.memory_space<hbm>>) target(%arg8 : memref<128xi32, #tpu.memory_space<vmem>>) target_semaphore(%run_scoped3A : memref<!tpu.dma_semaphore, #tpu.memory_space<semaphore_mem>>)
      %dma_wait3A = tpu.memref_slice %arg4[%select_n3A_9, %add3A_44] : memref<8x4096xi32, #tpu.memory_space<hbm>> -> memref<1x128xi32, #tpu.memory_space<hbm>>
      %dma_wait3A_68 = tpu.memref_squeeze %dma_wait3A : memref<1x128xi32, #tpu.memory_space<hbm>> -> memref<128xi32, #tpu.memory_space<hbm>>
      %dma_wait3A_69 = tpu.memref_slice %arg4[%select_n3A_9, %add3A_44] : memref<8x4096xi32, #tpu.memory_space<hbm>> -> memref<1x128xi32, #tpu.memory_space<hbm>>
      %dma_wait3A_70 = tpu.memref_squeeze %dma_wait3A_69 : memref<1x128xi32, #tpu.memory_space<hbm>> -> memref<128xi32, #tpu.memory_space<hbm>>
      tpu.wait_dma2 semaphore(%run_scoped3A : memref<!tpu.dma_semaphore, #tpu.memory_space<semaphore_mem>>) src(%dma_wait3A_70 : memref<128xi32, #tpu.memory_space<hbm>>) dst(%arg8 : memref<128xi32, #tpu.memory_space<vmem>>)
      tpu.yield
    }) : () -> ()
    "tpu.region"() ({
      %run_scoped3A = tpu.sem_alloc : memref<!tpu.dma_semaphore, #tpu.memory_space<semaphore_mem>>
      %dma_start3A = arith.constant 640 : i32
      %dma_start3A_65 = tpu.memref_slice %arg7[%dma_start3A] : memref<1024xf32, #tpu.memory_space<vmem>> -> memref<128xf32, #tpu.memory_space<vmem>>
      %dma_start3A_66 = arith.constant 0 : i32
      %dma_start3A_67 = tpu.memref_slice %arg5[%dma_start3A_66] : memref<32768xf32, #tpu.memory_space<hbm>> -> memref<32768xf32, #tpu.memory_space<hbm>>
      tpu.enqueue_indirect_dma source(%dma_start3A_65 : memref<128xf32, #tpu.memory_space<vmem>>) target(%dma_start3A_67 : memref<32768xf32, #tpu.memory_space<hbm>>) offsets(%arg8 : memref<128xi32, #tpu.memory_space<vmem>>) semaphore(%run_scoped3A : memref<!tpu.dma_semaphore, #tpu.memory_space<semaphore_mem>>)
      %dma_wait3A = arith.constant 640 : i32
      %dma_wait3A_68 = tpu.memref_slice %arg7[%dma_wait3A] : memref<1024xf32, #tpu.memory_space<vmem>> -> memref<128xf32, #tpu.memory_space<vmem>>
      %dma_wait3A_69 = arith.constant 0 : i32
      %dma_wait3A_70 = tpu.memref_slice %arg5[%dma_wait3A_69] : memref<32768xf32, #tpu.memory_space<hbm>> -> memref<32768xf32, #tpu.memory_space<hbm>>
      tpu.wait_indirect_dma semaphore(%run_scoped3A : memref<!tpu.dma_semaphore, #tpu.memory_space<semaphore_mem>>) src(%dma_wait3A_68 : memref<128xf32, #tpu.memory_space<vmem>>) dst(%dma_wait3A_70 : memref<32768xf32, #tpu.memory_space<hbm>>)
      tpu.yield
    }) : () -> ()
    %add3A_45 = arith.constant 768 : i32
    %add3A_46 = arith.addi %mul3A_32, %add3A_45 : i32
    "tpu.region"() ({
      %run_scoped3A = tpu.sem_alloc : memref<!tpu.dma_semaphore, #tpu.memory_space<semaphore_mem>>
      %dma_start3A = tpu.memref_slice %arg4[%select_n3A_9, %add3A_46] : memref<8x4096xi32, #tpu.memory_space<hbm>> -> memref<1x128xi32, #tpu.memory_space<hbm>>
      %dma_start3A_65 = tpu.memref_squeeze %dma_start3A : memref<1x128xi32, #tpu.memory_space<hbm>> -> memref<128xi32, #tpu.memory_space<hbm>>
      %dma_start3A_66 = tpu.memref_slice %arg4[%select_n3A_9, %add3A_46] : memref<8x4096xi32, #tpu.memory_space<hbm>> -> memref<1x128xi32, #tpu.memory_space<hbm>>
      %dma_start3A_67 = tpu.memref_squeeze %dma_start3A_66 : memref<1x128xi32, #tpu.memory_space<hbm>> -> memref<128xi32, #tpu.memory_space<hbm>>
      tpu.enqueue_dma source(%dma_start3A_67 : memref<128xi32, #tpu.memory_space<hbm>>) target(%arg8 : memref<128xi32, #tpu.memory_space<vmem>>) target_semaphore(%run_scoped3A : memref<!tpu.dma_semaphore, #tpu.memory_space<semaphore_mem>>)
      %dma_wait3A = tpu.memref_slice %arg4[%select_n3A_9, %add3A_46] : memref<8x4096xi32, #tpu.memory_space<hbm>> -> memref<1x128xi32, #tpu.memory_space<hbm>>
      %dma_wait3A_68 = tpu.memref_squeeze %dma_wait3A : memref<1x128xi32, #tpu.memory_space<hbm>> -> memref<128xi32, #tpu.memory_space<hbm>>
      %dma_wait3A_69 = tpu.memref_slice %arg4[%select_n3A_9, %add3A_46] : memref<8x4096xi32, #tpu.memory_space<hbm>> -> memref<1x128xi32, #tpu.memory_space<hbm>>
      %dma_wait3A_70 = tpu.memref_squeeze %dma_wait3A_69 : memref<1x128xi32, #tpu.memory_space<hbm>> -> memref<128xi32, #tpu.memory_space<hbm>>
      tpu.wait_dma2 semaphore(%run_scoped3A : memref<!tpu.dma_semaphore, #tpu.memory_space<semaphore_mem>>) src(%dma_wait3A_70 : memref<128xi32, #tpu.memory_space<hbm>>) dst(%arg8 : memref<128xi32, #tpu.memory_space<vmem>>)
      tpu.yield
    }) : () -> ()
    "tpu.region"() ({
      %run_scoped3A = tpu.sem_alloc : memref<!tpu.dma_semaphore, #tpu.memory_space<semaphore_mem>>
      %dma_start3A = arith.constant 768 : i32
      %dma_start3A_65 = tpu.memref_slice %arg7[%dma_start3A] : memref<1024xf32, #tpu.memory_space<vmem>> -> memref<128xf32, #tpu.memory_space<vmem>>
      %dma_start3A_66 = arith.constant 0 : i32
      %dma_start3A_67 = tpu.memref_slice %arg5[%dma_start3A_66] : memref<32768xf32, #tpu.memory_space<hbm>> -> memref<32768xf32, #tpu.memory_space<hbm>>
      tpu.enqueue_indirect_dma source(%dma_start3A_65 : memref<128xf32, #tpu.memory_space<vmem>>) target(%dma_start3A_67 : memref<32768xf32, #tpu.memory_space<hbm>>) offsets(%arg8 : memref<128xi32, #tpu.memory_space<vmem>>) semaphore(%run_scoped3A : memref<!tpu.dma_semaphore, #tpu.memory_space<semaphore_mem>>)
      %dma_wait3A = arith.constant 768 : i32
      %dma_wait3A_68 = tpu.memref_slice %arg7[%dma_wait3A] : memref<1024xf32, #tpu.memory_space<vmem>> -> memref<128xf32, #tpu.memory_space<vmem>>
      %dma_wait3A_69 = arith.constant 0 : i32
      %dma_wait3A_70 = tpu.memref_slice %arg5[%dma_wait3A_69] : memref<32768xf32, #tpu.memory_space<hbm>> -> memref<32768xf32, #tpu.memory_space<hbm>>
      tpu.wait_indirect_dma semaphore(%run_scoped3A : memref<!tpu.dma_semaphore, #tpu.memory_space<semaphore_mem>>) src(%dma_wait3A_68 : memref<128xf32, #tpu.memory_space<vmem>>) dst(%dma_wait3A_70 : memref<32768xf32, #tpu.memory_space<hbm>>)
      tpu.yield
    }) : () -> ()
    %add3A_47 = arith.constant 896 : i32
    %add3A_48 = arith.addi %mul3A_32, %add3A_47 : i32
    "tpu.region"() ({
      %run_scoped3A = tpu.sem_alloc : memref<!tpu.dma_semaphore, #tpu.memory_space<semaphore_mem>>
      %dma_start3A = tpu.memref_slice %arg4[%select_n3A_9, %add3A_48] : memref<8x4096xi32, #tpu.memory_space<hbm>> -> memref<1x128xi32, #tpu.memory_space<hbm>>
      %dma_start3A_65 = tpu.memref_squeeze %dma_start3A : memref<1x128xi32, #tpu.memory_space<hbm>> -> memref<128xi32, #tpu.memory_space<hbm>>
      %dma_start3A_66 = tpu.memref_slice %arg4[%select_n3A_9, %add3A_48] : memref<8x4096xi32, #tpu.memory_space<hbm>> -> memref<1x128xi32, #tpu.memory_space<hbm>>
      %dma_start3A_67 = tpu.memref_squeeze %dma_start3A_66 : memref<1x128xi32, #tpu.memory_space<hbm>> -> memref<128xi32, #tpu.memory_space<hbm>>
      tpu.enqueue_dma source(%dma_start3A_67 : memref<128xi32, #tpu.memory_space<hbm>>) target(%arg8 : memref<128xi32, #tpu.memory_space<vmem>>) target_semaphore(%run_scoped3A : memref<!tpu.dma_semaphore, #tpu.memory_space<semaphore_mem>>)
      %dma_wait3A = tpu.memref_slice %arg4[%select_n3A_9, %add3A_48] : memref<8x4096xi32, #tpu.memory_space<hbm>> -> memref<1x128xi32, #tpu.memory_space<hbm>>
      %dma_wait3A_68 = tpu.memref_squeeze %dma_wait3A : memref<1x128xi32, #tpu.memory_space<hbm>> -> memref<128xi32, #tpu.memory_space<hbm>>
      %dma_wait3A_69 = tpu.memref_slice %arg4[%select_n3A_9, %add3A_48] : memref<8x4096xi32, #tpu.memory_space<hbm>> -> memref<1x128xi32, #tpu.memory_space<hbm>>
      %dma_wait3A_70 = tpu.memref_squeeze %dma_wait3A_69 : memref<1x128xi32, #tpu.memory_space<hbm>> -> memref<128xi32, #tpu.memory_space<hbm>>
      tpu.wait_dma2 semaphore(%run_scoped3A : memref<!tpu.dma_semaphore, #tpu.memory_space<semaphore_mem>>) src(%dma_wait3A_70 : memref<128xi32, #tpu.memory_space<hbm>>) dst(%arg8 : memref<128xi32, #tpu.memory_space<vmem>>)
      tpu.yield
    }) : () -> ()
    "tpu.region"() ({
      %run_scoped3A = tpu.sem_alloc : memref<!tpu.dma_semaphore, #tpu.memory_space<semaphore_mem>>
      %dma_start3A = arith.constant 896 : i32
      %dma_start3A_65 = tpu.memref_slice %arg7[%dma_start3A] : memref<1024xf32, #tpu.memory_space<vmem>> -> memref<128xf32, #tpu.memory_space<vmem>>
      %dma_start3A_66 = arith.constant 0 : i32
      %dma_start3A_67 = tpu.memref_slice %arg5[%dma_start3A_66] : memref<32768xf32, #tpu.memory_space<hbm>> -> memref<32768xf32, #tpu.memory_space<hbm>>
      tpu.enqueue_indirect_dma source(%dma_start3A_65 : memref<128xf32, #tpu.memory_space<vmem>>) target(%dma_start3A_67 : memref<32768xf32, #tpu.memory_space<hbm>>) offsets(%arg8 : memref<128xi32, #tpu.memory_space<vmem>>) semaphore(%run_scoped3A : memref<!tpu.dma_semaphore, #tpu.memory_space<semaphore_mem>>)
      %dma_wait3A = arith.constant 896 : i32
      %dma_wait3A_68 = tpu.memref_slice %arg7[%dma_wait3A] : memref<1024xf32, #tpu.memory_space<vmem>> -> memref<128xf32, #tpu.memory_space<vmem>>
      %dma_wait3A_69 = arith.constant 0 : i32
      %dma_wait3A_70 = tpu.memref_slice %arg5[%dma_wait3A_69] : memref<32768xf32, #tpu.memory_space<hbm>> -> memref<32768xf32, #tpu.memory_space<hbm>>
      tpu.wait_indirect_dma semaphore(%run_scoped3A : memref<!tpu.dma_semaphore, #tpu.memory_space<semaphore_mem>>) src(%dma_wait3A_68 : memref<128xf32, #tpu.memory_space<vmem>>) dst(%dma_wait3A_70 : memref<32768xf32, #tpu.memory_space<hbm>>)
      tpu.yield
    }) : () -> ()
    "tpu.region"() ({
      %run_scoped3A = tpu.sem_alloc : memref<!tpu.dma_semaphore, #tpu.memory_space<semaphore_mem>>
      %dma_start3A = tpu.memref_slice %arg3[%select_n3A_9, %mul3A_32] : memref<8x4096xf32, #tpu.memory_space<hbm>> -> memref<1x1024xf32, #tpu.memory_space<hbm>>
      %dma_start3A_65 = tpu.memref_squeeze %dma_start3A : memref<1x1024xf32, #tpu.memory_space<hbm>> -> memref<1024xf32, #tpu.memory_space<hbm>>
      %dma_start3A_66 = tpu.memref_slice %arg3[%select_n3A_9, %mul3A_32] : memref<8x4096xf32, #tpu.memory_space<hbm>> -> memref<1x1024xf32, #tpu.memory_space<hbm>>
      %dma_start3A_67 = tpu.memref_squeeze %dma_start3A_66 : memref<1x1024xf32, #tpu.memory_space<hbm>> -> memref<1024xf32, #tpu.memory_space<hbm>>
      tpu.enqueue_dma source(%dma_start3A_67 : memref<1024xf32, #tpu.memory_space<hbm>>) target(%arg7 : memref<1024xf32, #tpu.memory_space<vmem>>) target_semaphore(%run_scoped3A : memref<!tpu.dma_semaphore, #tpu.memory_space<semaphore_mem>>)
      %dma_wait3A = tpu.memref_slice %arg3[%select_n3A_9, %mul3A_32] : memref<8x4096xf32, #tpu.memory_space<hbm>> -> memref<1x1024xf32, #tpu.memory_space<hbm>>
      %dma_wait3A_68 = tpu.memref_squeeze %dma_wait3A : memref<1x1024xf32, #tpu.memory_space<hbm>> -> memref<1024xf32, #tpu.memory_space<hbm>>
      %dma_wait3A_69 = tpu.memref_slice %arg3[%select_n3A_9, %mul3A_32] : memref<8x4096xf32, #tpu.memory_space<hbm>> -> memref<1x1024xf32, #tpu.memory_space<hbm>>
      %dma_wait3A_70 = tpu.memref_squeeze %dma_wait3A_69 : memref<1x1024xf32, #tpu.memory_space<hbm>> -> memref<1024xf32, #tpu.memory_space<hbm>>
      tpu.wait_dma2 semaphore(%run_scoped3A : memref<!tpu.dma_semaphore, #tpu.memory_space<semaphore_mem>>) src(%dma_wait3A_70 : memref<1024xf32, #tpu.memory_space<hbm>>) dst(%arg7 : memref<1024xf32, #tpu.memory_space<vmem>>)
      tpu.yield
    }) : () -> ()
    %add3A_49 = arith.constant 0 : i32
    %add3A_50 = arith.addi %mul3A_32, %add3A_49 : i32
    "tpu.region"() ({
      %run_scoped3A = tpu.sem_alloc : memref<!tpu.dma_semaphore, #tpu.memory_space<semaphore_mem>>
      %dma_start3A = tpu.memref_slice %arg4[%select_n3A_9, %add3A_50] : memref<8x4096xi32, #tpu.memory_space<hbm>> -> memref<1x128xi32, #tpu.memory_space<hbm>>
      %dma_start3A_65 = tpu.memref_squeeze %dma_start3A : memref<1x128xi32, #tpu.memory_space<hbm>> -> memref<128xi32, #tpu.memory_space<hbm>>
      %dma_start3A_66 = tpu.memref_slice %arg4[%select_n3A_9, %add3A_50] : memref<8x4096xi32, #tpu.memory_space<hbm>> -> memref<1x128xi32, #tpu.memory_space<hbm>>
      %dma_start3A_67 = tpu.memref_squeeze %dma_start3A_66 : memref<1x128xi32, #tpu.memory_space<hbm>> -> memref<128xi32, #tpu.memory_space<hbm>>
      tpu.enqueue_dma source(%dma_start3A_67 : memref<128xi32, #tpu.memory_space<hbm>>) target(%arg8 : memref<128xi32, #tpu.memory_space<vmem>>) target_semaphore(%run_scoped3A : memref<!tpu.dma_semaphore, #tpu.memory_space<semaphore_mem>>)
      %dma_wait3A = tpu.memref_slice %arg4[%select_n3A_9, %add3A_50] : memref<8x4096xi32, #tpu.memory_space<hbm>> -> memref<1x128xi32, #tpu.memory_space<hbm>>
      %dma_wait3A_68 = tpu.memref_squeeze %dma_wait3A : memref<1x128xi32, #tpu.memory_space<hbm>> -> memref<128xi32, #tpu.memory_space<hbm>>
      %dma_wait3A_69 = tpu.memref_slice %arg4[%select_n3A_9, %add3A_50] : memref<8x4096xi32, #tpu.memory_space<hbm>> -> memref<1x128xi32, #tpu.memory_space<hbm>>
      %dma_wait3A_70 = tpu.memref_squeeze %dma_wait3A_69 : memref<1x128xi32, #tpu.memory_space<hbm>> -> memref<128xi32, #tpu.memory_space<hbm>>
      tpu.wait_dma2 semaphore(%run_scoped3A : memref<!tpu.dma_semaphore, #tpu.memory_space<semaphore_mem>>) src(%dma_wait3A_70 : memref<128xi32, #tpu.memory_space<hbm>>) dst(%arg8 : memref<128xi32, #tpu.memory_space<vmem>>)
      tpu.yield
    }) : () -> ()
    "tpu.region"() ({
      %run_scoped3A = tpu.sem_alloc : memref<!tpu.dma_semaphore, #tpu.memory_space<semaphore_mem>>
      %dma_start3A = arith.constant 0 : i32
      %dma_start3A_65 = tpu.memref_slice %arg7[%dma_start3A] : memref<1024xf32, #tpu.memory_space<vmem>> -> memref<128xf32, #tpu.memory_space<vmem>>
      %dma_start3A_66 = arith.constant 0 : i32
      %dma_start3A_67 = tpu.memref_slice %arg6[%dma_start3A_66] : memref<32768xf32, #tpu.memory_space<hbm>> -> memref<32768xf32, #tpu.memory_space<hbm>>
      tpu.enqueue_indirect_dma source(%dma_start3A_65 : memref<128xf32, #tpu.memory_space<vmem>>) target(%dma_start3A_67 : memref<32768xf32, #tpu.memory_space<hbm>>) offsets(%arg8 : memref<128xi32, #tpu.memory_space<vmem>>) semaphore(%run_scoped3A : memref<!tpu.dma_semaphore, #tpu.memory_space<semaphore_mem>>)
      %dma_wait3A = arith.constant 0 : i32
      %dma_wait3A_68 = tpu.memref_slice %arg7[%dma_wait3A] : memref<1024xf32, #tpu.memory_space<vmem>> -> memref<128xf32, #tpu.memory_space<vmem>>
      %dma_wait3A_69 = arith.constant 0 : i32
      %dma_wait3A_70 = tpu.memref_slice %arg6[%dma_wait3A_69] : memref<32768xf32, #tpu.memory_space<hbm>> -> memref<32768xf32, #tpu.memory_space<hbm>>
      tpu.wait_indirect_dma semaphore(%run_scoped3A : memref<!tpu.dma_semaphore, #tpu.memory_space<semaphore_mem>>) src(%dma_wait3A_68 : memref<128xf32, #tpu.memory_space<vmem>>) dst(%dma_wait3A_70 : memref<32768xf32, #tpu.memory_space<hbm>>)
      tpu.yield
    }) : () -> ()
    %add3A_51 = arith.constant 128 : i32
    %add3A_52 = arith.addi %mul3A_32, %add3A_51 : i32
    "tpu.region"() ({
      %run_scoped3A = tpu.sem_alloc : memref<!tpu.dma_semaphore, #tpu.memory_space<semaphore_mem>>
      %dma_start3A = tpu.memref_slice %arg4[%select_n3A_9, %add3A_52] : memref<8x4096xi32, #tpu.memory_space<hbm>> -> memref<1x128xi32, #tpu.memory_space<hbm>>
      %dma_start3A_65 = tpu.memref_squeeze %dma_start3A : memref<1x128xi32, #tpu.memory_space<hbm>> -> memref<128xi32, #tpu.memory_space<hbm>>
      %dma_start3A_66 = tpu.memref_slice %arg4[%select_n3A_9, %add3A_52] : memref<8x4096xi32, #tpu.memory_space<hbm>> -> memref<1x128xi32, #tpu.memory_space<hbm>>
      %dma_start3A_67 = tpu.memref_squeeze %dma_start3A_66 : memref<1x128xi32, #tpu.memory_space<hbm>> -> memref<128xi32, #tpu.memory_space<hbm>>
      tpu.enqueue_dma source(%dma_start3A_67 : memref<128xi32, #tpu.memory_space<hbm>>) target(%arg8 : memref<128xi32, #tpu.memory_space<vmem>>) target_semaphore(%run_scoped3A : memref<!tpu.dma_semaphore, #tpu.memory_space<semaphore_mem>>)
      %dma_wait3A = tpu.memref_slice %arg4[%select_n3A_9, %add3A_52] : memref<8x4096xi32, #tpu.memory_space<hbm>> -> memref<1x128xi32, #tpu.memory_space<hbm>>
      %dma_wait3A_68 = tpu.memref_squeeze %dma_wait3A : memref<1x128xi32, #tpu.memory_space<hbm>> -> memref<128xi32, #tpu.memory_space<hbm>>
      %dma_wait3A_69 = tpu.memref_slice %arg4[%select_n3A_9, %add3A_52] : memref<8x4096xi32, #tpu.memory_space<hbm>> -> memref<1x128xi32, #tpu.memory_space<hbm>>
      %dma_wait3A_70 = tpu.memref_squeeze %dma_wait3A_69 : memref<1x128xi32, #tpu.memory_space<hbm>> -> memref<128xi32, #tpu.memory_space<hbm>>
      tpu.wait_dma2 semaphore(%run_scoped3A : memref<!tpu.dma_semaphore, #tpu.memory_space<semaphore_mem>>) src(%dma_wait3A_70 : memref<128xi32, #tpu.memory_space<hbm>>) dst(%arg8 : memref<128xi32, #tpu.memory_space<vmem>>)
      tpu.yield
    }) : () -> ()
    "tpu.region"() ({
      %run_scoped3A = tpu.sem_alloc : memref<!tpu.dma_semaphore, #tpu.memory_space<semaphore_mem>>
      %dma_start3A = arith.constant 128 : i32
      %dma_start3A_65 = tpu.memref_slice %arg7[%dma_start3A] : memref<1024xf32, #tpu.memory_space<vmem>> -> memref<128xf32, #tpu.memory_space<vmem>>
      %dma_start3A_66 = arith.constant 0 : i32
      %dma_start3A_67 = tpu.memref_slice %arg6[%dma_start3A_66] : memref<32768xf32, #tpu.memory_space<hbm>> -> memref<32768xf32, #tpu.memory_space<hbm>>
      tpu.enqueue_indirect_dma source(%dma_start3A_65 : memref<128xf32, #tpu.memory_space<vmem>>) target(%dma_start3A_67 : memref<32768xf32, #tpu.memory_space<hbm>>) offsets(%arg8 : memref<128xi32, #tpu.memory_space<vmem>>) semaphore(%run_scoped3A : memref<!tpu.dma_semaphore, #tpu.memory_space<semaphore_mem>>)
      %dma_wait3A = arith.constant 128 : i32
      %dma_wait3A_68 = tpu.memref_slice %arg7[%dma_wait3A] : memref<1024xf32, #tpu.memory_space<vmem>> -> memref<128xf32, #tpu.memory_space<vmem>>
      %dma_wait3A_69 = arith.constant 0 : i32
      %dma_wait3A_70 = tpu.memref_slice %arg6[%dma_wait3A_69] : memref<32768xf32, #tpu.memory_space<hbm>> -> memref<32768xf32, #tpu.memory_space<hbm>>
      tpu.wait_indirect_dma semaphore(%run_scoped3A : memref<!tpu.dma_semaphore, #tpu.memory_space<semaphore_mem>>) src(%dma_wait3A_68 : memref<128xf32, #tpu.memory_space<vmem>>) dst(%dma_wait3A_70 : memref<32768xf32, #tpu.memory_space<hbm>>)
      tpu.yield
    }) : () -> ()
    %add3A_53 = arith.constant 256 : i32
    %add3A_54 = arith.addi %mul3A_32, %add3A_53 : i32
    "tpu.region"() ({
      %run_scoped3A = tpu.sem_alloc : memref<!tpu.dma_semaphore, #tpu.memory_space<semaphore_mem>>
      %dma_start3A = tpu.memref_slice %arg4[%select_n3A_9, %add3A_54] : memref<8x4096xi32, #tpu.memory_space<hbm>> -> memref<1x128xi32, #tpu.memory_space<hbm>>
      %dma_start3A_65 = tpu.memref_squeeze %dma_start3A : memref<1x128xi32, #tpu.memory_space<hbm>> -> memref<128xi32, #tpu.memory_space<hbm>>
      %dma_start3A_66 = tpu.memref_slice %arg4[%select_n3A_9, %add3A_54] : memref<8x4096xi32, #tpu.memory_space<hbm>> -> memref<1x128xi32, #tpu.memory_space<hbm>>
      %dma_start3A_67 = tpu.memref_squeeze %dma_start3A_66 : memref<1x128xi32, #tpu.memory_space<hbm>> -> memref<128xi32, #tpu.memory_space<hbm>>
      tpu.enqueue_dma source(%dma_start3A_67 : memref<128xi32, #tpu.memory_space<hbm>>) target(%arg8 : memref<128xi32, #tpu.memory_space<vmem>>) target_semaphore(%run_scoped3A : memref<!tpu.dma_semaphore, #tpu.memory_space<semaphore_mem>>)
      %dma_wait3A = tpu.memref_slice %arg4[%select_n3A_9, %add3A_54] : memref<8x4096xi32, #tpu.memory_space<hbm>> -> memref<1x128xi32, #tpu.memory_space<hbm>>
      %dma_wait3A_68 = tpu.memref_squeeze %dma_wait3A : memref<1x128xi32, #tpu.memory_space<hbm>> -> memref<128xi32, #tpu.memory_space<hbm>>
      %dma_wait3A_69 = tpu.memref_slice %arg4[%select_n3A_9, %add3A_54] : memref<8x4096xi32, #tpu.memory_space<hbm>> -> memref<1x128xi32, #tpu.memory_space<hbm>>
      %dma_wait3A_70 = tpu.memref_squeeze %dma_wait3A_69 : memref<1x128xi32, #tpu.memory_space<hbm>> -> memref<128xi32, #tpu.memory_space<hbm>>
      tpu.wait_dma2 semaphore(%run_scoped3A : memref<!tpu.dma_semaphore, #tpu.memory_space<semaphore_mem>>) src(%dma_wait3A_70 : memref<128xi32, #tpu.memory_space<hbm>>) dst(%arg8 : memref<128xi32, #tpu.memory_space<vmem>>)
      tpu.yield
    }) : () -> ()
    "tpu.region"() ({
      %run_scoped3A = tpu.sem_alloc : memref<!tpu.dma_semaphore, #tpu.memory_space<semaphore_mem>>
      %dma_start3A = arith.constant 256 : i32
      %dma_start3A_65 = tpu.memref_slice %arg7[%dma_start3A] : memref<1024xf32, #tpu.memory_space<vmem>> -> memref<128xf32, #tpu.memory_space<vmem>>
      %dma_start3A_66 = arith.constant 0 : i32
      %dma_start3A_67 = tpu.memref_slice %arg6[%dma_start3A_66] : memref<32768xf32, #tpu.memory_space<hbm>> -> memref<32768xf32, #tpu.memory_space<hbm>>
      tpu.enqueue_indirect_dma source(%dma_start3A_65 : memref<128xf32, #tpu.memory_space<vmem>>) target(%dma_start3A_67 : memref<32768xf32, #tpu.memory_space<hbm>>) offsets(%arg8 : memref<128xi32, #tpu.memory_space<vmem>>) semaphore(%run_scoped3A : memref<!tpu.dma_semaphore, #tpu.memory_space<semaphore_mem>>)
      %dma_wait3A = arith.constant 256 : i32
      %dma_wait3A_68 = tpu.memref_slice %arg7[%dma_wait3A] : memref<1024xf32, #tpu.memory_space<vmem>> -> memref<128xf32, #tpu.memory_space<vmem>>
      %dma_wait3A_69 = arith.constant 0 : i32
      %dma_wait3A_70 = tpu.memref_slice %arg6[%dma_wait3A_69] : memref<32768xf32, #tpu.memory_space<hbm>> -> memref<32768xf32, #tpu.memory_space<hbm>>
      tpu.wait_indirect_dma semaphore(%run_scoped3A : memref<!tpu.dma_semaphore, #tpu.memory_space<semaphore_mem>>) src(%dma_wait3A_68 : memref<128xf32, #tpu.memory_space<vmem>>) dst(%dma_wait3A_70 : memref<32768xf32, #tpu.memory_space<hbm>>)
      tpu.yield
    }) : () -> ()
    %add3A_55 = arith.constant 384 : i32
    %add3A_56 = arith.addi %mul3A_32, %add3A_55 : i32
    "tpu.region"() ({
      %run_scoped3A = tpu.sem_alloc : memref<!tpu.dma_semaphore, #tpu.memory_space<semaphore_mem>>
      %dma_start3A = tpu.memref_slice %arg4[%select_n3A_9, %add3A_56] : memref<8x4096xi32, #tpu.memory_space<hbm>> -> memref<1x128xi32, #tpu.memory_space<hbm>>
      %dma_start3A_65 = tpu.memref_squeeze %dma_start3A : memref<1x128xi32, #tpu.memory_space<hbm>> -> memref<128xi32, #tpu.memory_space<hbm>>
      %dma_start3A_66 = tpu.memref_slice %arg4[%select_n3A_9, %add3A_56] : memref<8x4096xi32, #tpu.memory_space<hbm>> -> memref<1x128xi32, #tpu.memory_space<hbm>>
      %dma_start3A_67 = tpu.memref_squeeze %dma_start3A_66 : memref<1x128xi32, #tpu.memory_space<hbm>> -> memref<128xi32, #tpu.memory_space<hbm>>
      tpu.enqueue_dma source(%dma_start3A_67 : memref<128xi32, #tpu.memory_space<hbm>>) target(%arg8 : memref<128xi32, #tpu.memory_space<vmem>>) target_semaphore(%run_scoped3A : memref<!tpu.dma_semaphore, #tpu.memory_space<semaphore_mem>>)
      %dma_wait3A = tpu.memref_slice %arg4[%select_n3A_9, %add3A_56] : memref<8x4096xi32, #tpu.memory_space<hbm>> -> memref<1x128xi32, #tpu.memory_space<hbm>>
      %dma_wait3A_68 = tpu.memref_squeeze %dma_wait3A : memref<1x128xi32, #tpu.memory_space<hbm>> -> memref<128xi32, #tpu.memory_space<hbm>>
      %dma_wait3A_69 = tpu.memref_slice %arg4[%select_n3A_9, %add3A_56] : memref<8x4096xi32, #tpu.memory_space<hbm>> -> memref<1x128xi32, #tpu.memory_space<hbm>>
      %dma_wait3A_70 = tpu.memref_squeeze %dma_wait3A_69 : memref<1x128xi32, #tpu.memory_space<hbm>> -> memref<128xi32, #tpu.memory_space<hbm>>
      tpu.wait_dma2 semaphore(%run_scoped3A : memref<!tpu.dma_semaphore, #tpu.memory_space<semaphore_mem>>) src(%dma_wait3A_70 : memref<128xi32, #tpu.memory_space<hbm>>) dst(%arg8 : memref<128xi32, #tpu.memory_space<vmem>>)
      tpu.yield
    }) : () -> ()
    "tpu.region"() ({
      %run_scoped3A = tpu.sem_alloc : memref<!tpu.dma_semaphore, #tpu.memory_space<semaphore_mem>>
      %dma_start3A = arith.constant 384 : i32
      %dma_start3A_65 = tpu.memref_slice %arg7[%dma_start3A] : memref<1024xf32, #tpu.memory_space<vmem>> -> memref<128xf32, #tpu.memory_space<vmem>>
      %dma_start3A_66 = arith.constant 0 : i32
      %dma_start3A_67 = tpu.memref_slice %arg6[%dma_start3A_66] : memref<32768xf32, #tpu.memory_space<hbm>> -> memref<32768xf32, #tpu.memory_space<hbm>>
      tpu.enqueue_indirect_dma source(%dma_start3A_65 : memref<128xf32, #tpu.memory_space<vmem>>) target(%dma_start3A_67 : memref<32768xf32, #tpu.memory_space<hbm>>) offsets(%arg8 : memref<128xi32, #tpu.memory_space<vmem>>) semaphore(%run_scoped3A : memref<!tpu.dma_semaphore, #tpu.memory_space<semaphore_mem>>)
      %dma_wait3A = arith.constant 384 : i32
      %dma_wait3A_68 = tpu.memref_slice %arg7[%dma_wait3A] : memref<1024xf32, #tpu.memory_space<vmem>> -> memref<128xf32, #tpu.memory_space<vmem>>
      %dma_wait3A_69 = arith.constant 0 : i32
      %dma_wait3A_70 = tpu.memref_slice %arg6[%dma_wait3A_69] : memref<32768xf32, #tpu.memory_space<hbm>> -> memref<32768xf32, #tpu.memory_space<hbm>>
      tpu.wait_indirect_dma semaphore(%run_scoped3A : memref<!tpu.dma_semaphore, #tpu.memory_space<semaphore_mem>>) src(%dma_wait3A_68 : memref<128xf32, #tpu.memory_space<vmem>>) dst(%dma_wait3A_70 : memref<32768xf32, #tpu.memory_space<hbm>>)
      tpu.yield
    }) : () -> ()
    %add3A_57 = arith.constant 512 : i32
    %add3A_58 = arith.addi %mul3A_32, %add3A_57 : i32
    "tpu.region"() ({
      %run_scoped3A = tpu.sem_alloc : memref<!tpu.dma_semaphore, #tpu.memory_space<semaphore_mem>>
      %dma_start3A = tpu.memref_slice %arg4[%select_n3A_9, %add3A_58] : memref<8x4096xi32, #tpu.memory_space<hbm>> -> memref<1x128xi32, #tpu.memory_space<hbm>>
      %dma_start3A_65 = tpu.memref_squeeze %dma_start3A : memref<1x128xi32, #tpu.memory_space<hbm>> -> memref<128xi32, #tpu.memory_space<hbm>>
      %dma_start3A_66 = tpu.memref_slice %arg4[%select_n3A_9, %add3A_58] : memref<8x4096xi32, #tpu.memory_space<hbm>> -> memref<1x128xi32, #tpu.memory_space<hbm>>
      %dma_start3A_67 = tpu.memref_squeeze %dma_start3A_66 : memref<1x128xi32, #tpu.memory_space<hbm>> -> memref<128xi32, #tpu.memory_space<hbm>>
      tpu.enqueue_dma source(%dma_start3A_67 : memref<128xi32, #tpu.memory_space<hbm>>) target(%arg8 : memref<128xi32, #tpu.memory_space<vmem>>) target_semaphore(%run_scoped3A : memref<!tpu.dma_semaphore, #tpu.memory_space<semaphore_mem>>)
      %dma_wait3A = tpu.memref_slice %arg4[%select_n3A_9, %add3A_58] : memref<8x4096xi32, #tpu.memory_space<hbm>> -> memref<1x128xi32, #tpu.memory_space<hbm>>
      %dma_wait3A_68 = tpu.memref_squeeze %dma_wait3A : memref<1x128xi32, #tpu.memory_space<hbm>> -> memref<128xi32, #tpu.memory_space<hbm>>
      %dma_wait3A_69 = tpu.memref_slice %arg4[%select_n3A_9, %add3A_58] : memref<8x4096xi32, #tpu.memory_space<hbm>> -> memref<1x128xi32, #tpu.memory_space<hbm>>
      %dma_wait3A_70 = tpu.memref_squeeze %dma_wait3A_69 : memref<1x128xi32, #tpu.memory_space<hbm>> -> memref<128xi32, #tpu.memory_space<hbm>>
      tpu.wait_dma2 semaphore(%run_scoped3A : memref<!tpu.dma_semaphore, #tpu.memory_space<semaphore_mem>>) src(%dma_wait3A_70 : memref<128xi32, #tpu.memory_space<hbm>>) dst(%arg8 : memref<128xi32, #tpu.memory_space<vmem>>)
      tpu.yield
    }) : () -> ()
    "tpu.region"() ({
      %run_scoped3A = tpu.sem_alloc : memref<!tpu.dma_semaphore, #tpu.memory_space<semaphore_mem>>
      %dma_start3A = arith.constant 512 : i32
      %dma_start3A_65 = tpu.memref_slice %arg7[%dma_start3A] : memref<1024xf32, #tpu.memory_space<vmem>> -> memref<128xf32, #tpu.memory_space<vmem>>
      %dma_start3A_66 = arith.constant 0 : i32
      %dma_start3A_67 = tpu.memref_slice %arg6[%dma_start3A_66] : memref<32768xf32, #tpu.memory_space<hbm>> -> memref<32768xf32, #tpu.memory_space<hbm>>
      tpu.enqueue_indirect_dma source(%dma_start3A_65 : memref<128xf32, #tpu.memory_space<vmem>>) target(%dma_start3A_67 : memref<32768xf32, #tpu.memory_space<hbm>>) offsets(%arg8 : memref<128xi32, #tpu.memory_space<vmem>>) semaphore(%run_scoped3A : memref<!tpu.dma_semaphore, #tpu.memory_space<semaphore_mem>>)
      %dma_wait3A = arith.constant 512 : i32
      %dma_wait3A_68 = tpu.memref_slice %arg7[%dma_wait3A] : memref<1024xf32, #tpu.memory_space<vmem>> -> memref<128xf32, #tpu.memory_space<vmem>>
      %dma_wait3A_69 = arith.constant 0 : i32
      %dma_wait3A_70 = tpu.memref_slice %arg6[%dma_wait3A_69] : memref<32768xf32, #tpu.memory_space<hbm>> -> memref<32768xf32, #tpu.memory_space<hbm>>
      tpu.wait_indirect_dma semaphore(%run_scoped3A : memref<!tpu.dma_semaphore, #tpu.memory_space<semaphore_mem>>) src(%dma_wait3A_68 : memref<128xf32, #tpu.memory_space<vmem>>) dst(%dma_wait3A_70 : memref<32768xf32, #tpu.memory_space<hbm>>)
      tpu.yield
    }) : () -> ()
    %add3A_59 = arith.constant 640 : i32
    %add3A_60 = arith.addi %mul3A_32, %add3A_59 : i32
    "tpu.region"() ({
      %run_scoped3A = tpu.sem_alloc : memref<!tpu.dma_semaphore, #tpu.memory_space<semaphore_mem>>
      %dma_start3A = tpu.memref_slice %arg4[%select_n3A_9, %add3A_60] : memref<8x4096xi32, #tpu.memory_space<hbm>> -> memref<1x128xi32, #tpu.memory_space<hbm>>
      %dma_start3A_65 = tpu.memref_squeeze %dma_start3A : memref<1x128xi32, #tpu.memory_space<hbm>> -> memref<128xi32, #tpu.memory_space<hbm>>
      %dma_start3A_66 = tpu.memref_slice %arg4[%select_n3A_9, %add3A_60] : memref<8x4096xi32, #tpu.memory_space<hbm>> -> memref<1x128xi32, #tpu.memory_space<hbm>>
      %dma_start3A_67 = tpu.memref_squeeze %dma_start3A_66 : memref<1x128xi32, #tpu.memory_space<hbm>> -> memref<128xi32, #tpu.memory_space<hbm>>
      tpu.enqueue_dma source(%dma_start3A_67 : memref<128xi32, #tpu.memory_space<hbm>>) target(%arg8 : memref<128xi32, #tpu.memory_space<vmem>>) target_semaphore(%run_scoped3A : memref<!tpu.dma_semaphore, #tpu.memory_space<semaphore_mem>>)
      %dma_wait3A = tpu.memref_slice %arg4[%select_n3A_9, %add3A_60] : memref<8x4096xi32, #tpu.memory_space<hbm>> -> memref<1x128xi32, #tpu.memory_space<hbm>>
      %dma_wait3A_68 = tpu.memref_squeeze %dma_wait3A : memref<1x128xi32, #tpu.memory_space<hbm>> -> memref<128xi32, #tpu.memory_space<hbm>>
      %dma_wait3A_69 = tpu.memref_slice %arg4[%select_n3A_9, %add3A_60] : memref<8x4096xi32, #tpu.memory_space<hbm>> -> memref<1x128xi32, #tpu.memory_space<hbm>>
      %dma_wait3A_70 = tpu.memref_squeeze %dma_wait3A_69 : memref<1x128xi32, #tpu.memory_space<hbm>> -> memref<128xi32, #tpu.memory_space<hbm>>
      tpu.wait_dma2 semaphore(%run_scoped3A : memref<!tpu.dma_semaphore, #tpu.memory_space<semaphore_mem>>) src(%dma_wait3A_70 : memref<128xi32, #tpu.memory_space<hbm>>) dst(%arg8 : memref<128xi32, #tpu.memory_space<vmem>>)
      tpu.yield
    }) : () -> ()
    "tpu.region"() ({
      %run_scoped3A = tpu.sem_alloc : memref<!tpu.dma_semaphore, #tpu.memory_space<semaphore_mem>>
      %dma_start3A = arith.constant 640 : i32
      %dma_start3A_65 = tpu.memref_slice %arg7[%dma_start3A] : memref<1024xf32, #tpu.memory_space<vmem>> -> memref<128xf32, #tpu.memory_space<vmem>>
      %dma_start3A_66 = arith.constant 0 : i32
      %dma_start3A_67 = tpu.memref_slice %arg6[%dma_start3A_66] : memref<32768xf32, #tpu.memory_space<hbm>> -> memref<32768xf32, #tpu.memory_space<hbm>>
      tpu.enqueue_indirect_dma source(%dma_start3A_65 : memref<128xf32, #tpu.memory_space<vmem>>) target(%dma_start3A_67 : memref<32768xf32, #tpu.memory_space<hbm>>) offsets(%arg8 : memref<128xi32, #tpu.memory_space<vmem>>) semaphore(%run_scoped3A : memref<!tpu.dma_semaphore, #tpu.memory_space<semaphore_mem>>)
      %dma_wait3A = arith.constant 640 : i32
      %dma_wait3A_68 = tpu.memref_slice %arg7[%dma_wait3A] : memref<1024xf32, #tpu.memory_space<vmem>> -> memref<128xf32, #tpu.memory_space<vmem>>
      %dma_wait3A_69 = arith.constant 0 : i32
      %dma_wait3A_70 = tpu.memref_slice %arg6[%dma_wait3A_69] : memref<32768xf32, #tpu.memory_space<hbm>> -> memref<32768xf32, #tpu.memory_space<hbm>>
      tpu.wait_indirect_dma semaphore(%run_scoped3A : memref<!tpu.dma_semaphore, #tpu.memory_space<semaphore_mem>>) src(%dma_wait3A_68 : memref<128xf32, #tpu.memory_space<vmem>>) dst(%dma_wait3A_70 : memref<32768xf32, #tpu.memory_space<hbm>>)
      tpu.yield
    }) : () -> ()
    %add3A_61 = arith.constant 768 : i32
    %add3A_62 = arith.addi %mul3A_32, %add3A_61 : i32
    "tpu.region"() ({
      %run_scoped3A = tpu.sem_alloc : memref<!tpu.dma_semaphore, #tpu.memory_space<semaphore_mem>>
      %dma_start3A = tpu.memref_slice %arg4[%select_n3A_9, %add3A_62] : memref<8x4096xi32, #tpu.memory_space<hbm>> -> memref<1x128xi32, #tpu.memory_space<hbm>>
      %dma_start3A_65 = tpu.memref_squeeze %dma_start3A : memref<1x128xi32, #tpu.memory_space<hbm>> -> memref<128xi32, #tpu.memory_space<hbm>>
      %dma_start3A_66 = tpu.memref_slice %arg4[%select_n3A_9, %add3A_62] : memref<8x4096xi32, #tpu.memory_space<hbm>> -> memref<1x128xi32, #tpu.memory_space<hbm>>
      %dma_start3A_67 = tpu.memref_squeeze %dma_start3A_66 : memref<1x128xi32, #tpu.memory_space<hbm>> -> memref<128xi32, #tpu.memory_space<hbm>>
      tpu.enqueue_dma source(%dma_start3A_67 : memref<128xi32, #tpu.memory_space<hbm>>) target(%arg8 : memref<128xi32, #tpu.memory_space<vmem>>) target_semaphore(%run_scoped3A : memref<!tpu.dma_semaphore, #tpu.memory_space<semaphore_mem>>)
      %dma_wait3A = tpu.memref_slice %arg4[%select_n3A_9, %add3A_62] : memref<8x4096xi32, #tpu.memory_space<hbm>> -> memref<1x128xi32, #tpu.memory_space<hbm>>
      %dma_wait3A_68 = tpu.memref_squeeze %dma_wait3A : memref<1x128xi32, #tpu.memory_space<hbm>> -> memref<128xi32, #tpu.memory_space<hbm>>
      %dma_wait3A_69 = tpu.memref_slice %arg4[%select_n3A_9, %add3A_62] : memref<8x4096xi32, #tpu.memory_space<hbm>> -> memref<1x128xi32, #tpu.memory_space<hbm>>
      %dma_wait3A_70 = tpu.memref_squeeze %dma_wait3A_69 : memref<1x128xi32, #tpu.memory_space<hbm>> -> memref<128xi32, #tpu.memory_space<hbm>>
      tpu.wait_dma2 semaphore(%run_scoped3A : memref<!tpu.dma_semaphore, #tpu.memory_space<semaphore_mem>>) src(%dma_wait3A_70 : memref<128xi32, #tpu.memory_space<hbm>>) dst(%arg8 : memref<128xi32, #tpu.memory_space<vmem>>)
      tpu.yield
    }) : () -> ()
    "tpu.region"() ({
      %run_scoped3A = tpu.sem_alloc : memref<!tpu.dma_semaphore, #tpu.memory_space<semaphore_mem>>
      %dma_start3A = arith.constant 768 : i32
      %dma_start3A_65 = tpu.memref_slice %arg7[%dma_start3A] : memref<1024xf32, #tpu.memory_space<vmem>> -> memref<128xf32, #tpu.memory_space<vmem>>
      %dma_start3A_66 = arith.constant 0 : i32
      %dma_start3A_67 = tpu.memref_slice %arg6[%dma_start3A_66] : memref<32768xf32, #tpu.memory_space<hbm>> -> memref<32768xf32, #tpu.memory_space<hbm>>
      tpu.enqueue_indirect_dma source(%dma_start3A_65 : memref<128xf32, #tpu.memory_space<vmem>>) target(%dma_start3A_67 : memref<32768xf32, #tpu.memory_space<hbm>>) offsets(%arg8 : memref<128xi32, #tpu.memory_space<vmem>>) semaphore(%run_scoped3A : memref<!tpu.dma_semaphore, #tpu.memory_space<semaphore_mem>>)
      %dma_wait3A = arith.constant 768 : i32
      %dma_wait3A_68 = tpu.memref_slice %arg7[%dma_wait3A] : memref<1024xf32, #tpu.memory_space<vmem>> -> memref<128xf32, #tpu.memory_space<vmem>>
      %dma_wait3A_69 = arith.constant 0 : i32
      %dma_wait3A_70 = tpu.memref_slice %arg6[%dma_wait3A_69] : memref<32768xf32, #tpu.memory_space<hbm>> -> memref<32768xf32, #tpu.memory_space<hbm>>
      tpu.wait_indirect_dma semaphore(%run_scoped3A : memref<!tpu.dma_semaphore, #tpu.memory_space<semaphore_mem>>) src(%dma_wait3A_68 : memref<128xf32, #tpu.memory_space<vmem>>) dst(%dma_wait3A_70 : memref<32768xf32, #tpu.memory_space<hbm>>)
      tpu.yield
    }) : () -> ()
    %add3A_63 = arith.constant 896 : i32
    %add3A_64 = arith.addi %mul3A_32, %add3A_63 : i32
    "tpu.region"() ({
      %run_scoped3A = tpu.sem_alloc : memref<!tpu.dma_semaphore, #tpu.memory_space<semaphore_mem>>
      %dma_start3A = tpu.memref_slice %arg4[%select_n3A_9, %add3A_64] : memref<8x4096xi32, #tpu.memory_space<hbm>> -> memref<1x128xi32, #tpu.memory_space<hbm>>
      %dma_start3A_65 = tpu.memref_squeeze %dma_start3A : memref<1x128xi32, #tpu.memory_space<hbm>> -> memref<128xi32, #tpu.memory_space<hbm>>
      %dma_start3A_66 = tpu.memref_slice %arg4[%select_n3A_9, %add3A_64] : memref<8x4096xi32, #tpu.memory_space<hbm>> -> memref<1x128xi32, #tpu.memory_space<hbm>>
      %dma_start3A_67 = tpu.memref_squeeze %dma_start3A_66 : memref<1x128xi32, #tpu.memory_space<hbm>> -> memref<128xi32, #tpu.memory_space<hbm>>
      tpu.enqueue_dma source(%dma_start3A_67 : memref<128xi32, #tpu.memory_space<hbm>>) target(%arg8 : memref<128xi32, #tpu.memory_space<vmem>>) target_semaphore(%run_scoped3A : memref<!tpu.dma_semaphore, #tpu.memory_space<semaphore_mem>>)
      %dma_wait3A = tpu.memref_slice %arg4[%select_n3A_9, %add3A_64] : memref<8x4096xi32, #tpu.memory_space<hbm>> -> memref<1x128xi32, #tpu.memory_space<hbm>>
      %dma_wait3A_68 = tpu.memref_squeeze %dma_wait3A : memref<1x128xi32, #tpu.memory_space<hbm>> -> memref<128xi32, #tpu.memory_space<hbm>>
      %dma_wait3A_69 = tpu.memref_slice %arg4[%select_n3A_9, %add3A_64] : memref<8x4096xi32, #tpu.memory_space<hbm>> -> memref<1x128xi32, #tpu.memory_space<hbm>>
      %dma_wait3A_70 = tpu.memref_squeeze %dma_wait3A_69 : memref<1x128xi32, #tpu.memory_space<hbm>> -> memref<128xi32, #tpu.memory_space<hbm>>
      tpu.wait_dma2 semaphore(%run_scoped3A : memref<!tpu.dma_semaphore, #tpu.memory_space<semaphore_mem>>) src(%dma_wait3A_70 : memref<128xi32, #tpu.memory_space<hbm>>) dst(%arg8 : memref<128xi32, #tpu.memory_space<vmem>>)
      tpu.yield
    }) : () -> ()
    "tpu.region"() ({
      %run_scoped3A = tpu.sem_alloc : memref<!tpu.dma_semaphore, #tpu.memory_space<semaphore_mem>>
      %dma_start3A = arith.constant 896 : i32
      %dma_start3A_65 = tpu.memref_slice %arg7[%dma_start3A] : memref<1024xf32, #tpu.memory_space<vmem>> -> memref<128xf32, #tpu.memory_space<vmem>>
      %dma_start3A_66 = arith.constant 0 : i32
      %dma_start3A_67 = tpu.memref_slice %arg6[%dma_start3A_66] : memref<32768xf32, #tpu.memory_space<hbm>> -> memref<32768xf32, #tpu.memory_space<hbm>>
      tpu.enqueue_indirect_dma source(%dma_start3A_65 : memref<128xf32, #tpu.memory_space<vmem>>) target(%dma_start3A_67 : memref<32768xf32, #tpu.memory_space<hbm>>) offsets(%arg8 : memref<128xi32, #tpu.memory_space<vmem>>) semaphore(%run_scoped3A : memref<!tpu.dma_semaphore, #tpu.memory_space<semaphore_mem>>)
      %dma_wait3A = arith.constant 896 : i32
      %dma_wait3A_68 = tpu.memref_slice %arg7[%dma_wait3A] : memref<1024xf32, #tpu.memory_space<vmem>> -> memref<128xf32, #tpu.memory_space<vmem>>
      %dma_wait3A_69 = arith.constant 0 : i32
      %dma_wait3A_70 = tpu.memref_slice %arg6[%dma_wait3A_69] : memref<32768xf32, #tpu.memory_space<hbm>> -> memref<32768xf32, #tpu.memory_space<hbm>>
      tpu.wait_indirect_dma semaphore(%run_scoped3A : memref<!tpu.dma_semaphore, #tpu.memory_space<semaphore_mem>>) src(%dma_wait3A_68 : memref<128xf32, #tpu.memory_space<vmem>>) dst(%dma_wait3A_70 : memref<32768xf32, #tpu.memory_space<hbm>>)
      tpu.yield
    }) : () -> ()
    return
  }
}

module attributes {stable_mosaic.version = 14 : i64} {
  func.func @_moe_body(%arg0: i32, %arg1: memref<2xi32, #tpu.memory_space<smem>>, %arg2: memref<512x768xf32, #tpu.memory_space<vmem>>, %arg3: memref<512x32xf32, #tpu.memory_space<vmem>>, %arg4: memref<32x32xf32, #tpu.memory_space<vmem>>, %arg5: memref<32xf32, #tpu.memory_space<vmem>>, %arg6: memref<800x128xf32, #tpu.memory_space<vmem>>, %arg7: memref<128xf32, #tpu.memory_space<vmem>>, %arg8: memref<128x8xf32, #tpu.memory_space<vmem>>, %arg9: memref<8x1xf32, #tpu.memory_space<vmem>>, %arg10: memref<6400x128xf32, #tpu.memory_space<vmem>>, %arg11: memref<1x1024xf32, #tpu.memory_space<vmem>>, %arg12: memref<1024x768xf32, #tpu.memory_space<vmem>>, %arg13: memref<8x768xf32, #tpu.memory_space<vmem>>, %arg14: memref<512x768xf32, #tpu.memory_space<vmem>>, %arg15: memref<512x768xf32, #tpu.memory_space<vmem>>, %arg16: memref<8x512xf32, #tpu.memory_space<vmem>>, %arg17: memref<8x512xf32, #tpu.memory_space<vmem>>, %arg18: memref<8x1xf32, #tpu.memory_space<vmem>>, %arg19: memref<768x1024xbf16, #tpu.memory_space<vmem>>, %arg20: memref<32x1024xbf16, #tpu.memory_space<vmem>>, %arg21: memref<1024x768xbf16, #tpu.memory_space<vmem>>) attributes {dimension_semantics = [#tpu.dimension_semantics<arbitrary>], iteration_bounds = array<i64: 8>, scalar_prefetch = 0 : i64, scratch_operands = 3 : i64, tpu.core_type = #tpu.core_type<tc>, window_params = [{transform_indices = @transform_0, window_bounds = array<i64: 2>}, {transform_indices = @transform_1, window_bounds = array<i64: 512, 768>}, {transform_indices = @transform_2, window_bounds = array<i64: 512, 32>}, {pipeline_mode = #tpu.pipeline_mode<synchronous>, transform_indices = @transform_3, window_bounds = array<i64: 32, 32>}, {pipeline_mode = #tpu.pipeline_mode<synchronous>, transform_indices = @transform_4, window_bounds = array<i64: 32>}, {pipeline_mode = #tpu.pipeline_mode<synchronous>, transform_indices = @transform_5, window_bounds = array<i64: 800, 128>}, {pipeline_mode = #tpu.pipeline_mode<synchronous>, transform_indices = @transform_6, window_bounds = array<i64: 128>}, {pipeline_mode = #tpu.pipeline_mode<synchronous>, transform_indices = @transform_7, window_bounds = array<i64: 128, 8>}, {pipeline_mode = #tpu.pipeline_mode<synchronous>, transform_indices = @transform_8, window_bounds = array<i64: 8, 1>}, {pipeline_mode = #tpu.pipeline_mode<synchronous>, transform_indices = @transform_9, window_bounds = array<i64: 6400, 128>}, {pipeline_mode = #tpu.pipeline_mode<synchronous>, transform_indices = @transform_10, window_bounds = array<i64: 1, 1024>}, {pipeline_mode = #tpu.pipeline_mode<synchronous>, transform_indices = @transform_11, window_bounds = array<i64: 1024, 768>}, {pipeline_mode = #tpu.pipeline_mode<synchronous>, transform_indices = @transform_12, window_bounds = array<i64: 8, 768>}, {transform_indices = @transform_13, window_bounds = array<i64: 512, 768>}, {transform_indices = @transform_14, window_bounds = array<i64: 512, 768>}, {transform_indices = @transform_15, window_bounds = array<i64: 8, 512>}, {transform_indices = @transform_16, window_bounds = array<i64: 8, 512>}, {pipeline_mode = #tpu.pipeline_mode<synchronous>, transform_indices = @transform_17, window_bounds = array<i64: 8, 1>}]} {
    %jit3A = arith.constant 4 : i32
    %div3A = arith.divsi %arg0, %jit3A : i32
    %sign3A = arith.constant 0 : i32
    %sign3A_0 = arith.cmpi sgt, %arg0, %sign3A : i32
    %sign3A_1 = arith.extui %sign3A_0 : i1 to i32
    %sign3A_2 = arith.constant 0 : i32
    %sign3A_3 = arith.cmpi slt, %arg0, %sign3A_2 : i32
    %sign3A_4 = arith.extui %sign3A_3 : i1 to i32
    %sign3A_5 = arith.subi %sign3A_1, %sign3A_4 : i32
    %sign3A_6 = arith.constant 0 : i32
    %sign3A_7 = arith.cmpi sgt, %jit3A, %sign3A_6 : i32
    %sign3A_8 = arith.extui %sign3A_7 : i1 to i32
    %sign3A_9 = arith.constant 0 : i32
    %sign3A_10 = arith.cmpi slt, %jit3A, %sign3A_9 : i32
    %sign3A_11 = arith.extui %sign3A_10 : i1 to i32
    %sign3A_12 = arith.subi %sign3A_8, %sign3A_11 : i32
    %ne3A = arith.cmpi ne, %sign3A_5, %sign3A_12 : i32
    %rem3A = arith.remsi %arg0, %jit3A : i32
    %ne3A_13 = arith.constant 0 : i32
    %ne3A_14 = arith.cmpi ne, %rem3A, %ne3A_13 : i32
    %and3A = arith.andi %ne3A, %ne3A_14 : i1
    %sub3A = arith.constant 1 : i32
    %sub3A_15 = arith.subi %div3A, %sub3A : i32
    %select_n3A = arith.select %and3A, %sub3A_15, %div3A : i32
    %jit3A_16 = arith.constant 4 : i32
    %eq3A = arith.constant 0 : i32
    %eq3A_17 = arith.cmpi eq, %jit3A_16, %eq3A : i32
    %jit3A_18 = arith.constant 1 : i32
    %select_n3A_19 = arith.select %eq3A_17, %jit3A_18, %jit3A_16 : i32
    %rem3A_20 = arith.remsi %arg0, %select_n3A_19 : i32
    %ne3A_21 = arith.constant 0 : i32
    %ne3A_22 = arith.cmpi ne, %rem3A_20, %ne3A_21 : i32
    %lt3A = arith.constant 0 : i32
    %lt3A_23 = arith.cmpi slt, %rem3A_20, %lt3A : i32
    %lt3A_24 = arith.constant 0 : i32
    %lt3A_25 = arith.cmpi slt, %select_n3A_19, %lt3A_24 : i32
    %ne3A_26 = arith.xori %lt3A_23, %lt3A_25 : i1
    %and3A_27 = arith.andi %ne3A_26, %ne3A_22 : i1
    %add3A = arith.addi %rem3A_20, %select_n3A_19 : i32
    %select_n3A_28 = arith.select %and3A_27, %add3A, %rem3A_20 : i32
    %mul3A = arith.constant 512 : i32
    %mul3A_29 = arith.muli %select_n3A_28, %mul3A : i32
    %get3A = arith.index_cast %select_n3A : i32 to index
    %get3A_30 = memref.load %arg1[%get3A] : memref<2xi32, #tpu.memory_space<smem>>
    %eq3A_31 = arith.constant 0 : i32
    %eq3A_32 = arith.cmpi eq, %arg0, %eq3A_31 : i32
    %convert_element_type3A = arith.extui %eq3A_32 : i1 to i32
    %cond3A = arith.constant 0 : i32
    %cond3A_33 = arith.cmpi ne, %convert_element_type3A, %cond3A : i32
    scf.if %cond3A_33 {
      %get3A_192 = arith.constant 0 : index
      %get3A_193 = arith.constant 0 : index
      %get3A_194 = vector.load %arg10[%get3A_192, %get3A_193] : memref<6400x128xf32, #tpu.memory_space<vmem>>, vector<800x128xf32>
      %convert_element_type3A_195 = arith.truncf %get3A_194 : vector<800x128xf32> to vector<800x128xbf16>
      %slice3A = vector.extract_strided_slice %convert_element_type3A_195 {offsets = [0, 0], sizes = [768, 128], strides = [1, 1]} : vector<800x128xbf16> to vector<768x128xbf16>
      %swap3A_196 = arith.constant 0 : index
      %swap3A_197 = arith.constant 0 : index
      %swap3A_198 = vector.load %arg19[%swap3A_196, %swap3A_197] : memref<768x1024xbf16, #tpu.memory_space<vmem>>, vector<768x128xbf16>
      tpu.vector_store %arg19[%swap3A_196, %swap3A_197], %slice3A {strides = array<i32>} : memref<768x1024xbf16, #tpu.memory_space<vmem>>, vector<768x128xbf16>,
      %slice3A_199 = vector.extract_strided_slice %convert_element_type3A_195 {offsets = [768, 0], sizes = [32, 128], strides = [1, 1]} : vector<800x128xbf16> to vector<32x128xbf16>
      %swap3A_200 = arith.constant 0 : index
      %swap3A_201 = arith.constant 0 : index
      %swap3A_202 = vector.load %arg20[%swap3A_200, %swap3A_201] : memref<32x1024xbf16, #tpu.memory_space<vmem>>, vector<32x128xbf16>
      tpu.vector_store %arg20[%swap3A_200, %swap3A_201], %slice3A_199 {strides = array<i32>} : memref<32x1024xbf16, #tpu.memory_space<vmem>>, vector<32x128xbf16>,
      %get3A_203 = arith.constant 800 : index
      %get3A_204 = arith.constant 0 : index
      %get3A_205 = vector.load %arg10[%get3A_203, %get3A_204] : memref<6400x128xf32, #tpu.memory_space<vmem>>, vector<800x128xf32>
      %convert_element_type3A_206 = arith.truncf %get3A_205 : vector<800x128xf32> to vector<800x128xbf16>
      %slice3A_207 = vector.extract_strided_slice %convert_element_type3A_206 {offsets = [0, 0], sizes = [768, 128], strides = [1, 1]} : vector<800x128xbf16> to vector<768x128xbf16>
      %swap3A_208 = arith.constant 0 : index
      %swap3A_209 = arith.constant 128 : index
      %swap3A_210 = vector.load %arg19[%swap3A_208, %swap3A_209] : memref<768x1024xbf16, #tpu.memory_space<vmem>>, vector<768x128xbf16>
      tpu.vector_store %arg19[%swap3A_208, %swap3A_209], %slice3A_207 {strides = array<i32>} : memref<768x1024xbf16, #tpu.memory_space<vmem>>, vector<768x128xbf16>,
      %slice3A_211 = vector.extract_strided_slice %convert_element_type3A_206 {offsets = [768, 0], sizes = [32, 128], strides = [1, 1]} : vector<800x128xbf16> to vector<32x128xbf16>
      %swap3A_212 = arith.constant 0 : index
      %swap3A_213 = arith.constant 128 : index
      %swap3A_214 = vector.load %arg20[%swap3A_212, %swap3A_213] : memref<32x1024xbf16, #tpu.memory_space<vmem>>, vector<32x128xbf16>
      tpu.vector_store %arg20[%swap3A_212, %swap3A_213], %slice3A_211 {strides = array<i32>} : memref<32x1024xbf16, #tpu.memory_space<vmem>>, vector<32x128xbf16>,
      %get3A_215 = arith.constant 1600 : index
      %get3A_216 = arith.constant 0 : index
      %get3A_217 = vector.load %arg10[%get3A_215, %get3A_216] : memref<6400x128xf32, #tpu.memory_space<vmem>>, vector<800x128xf32>
      %convert_element_type3A_218 = arith.truncf %get3A_217 : vector<800x128xf32> to vector<800x128xbf16>
      %slice3A_219 = vector.extract_strided_slice %convert_element_type3A_218 {offsets = [0, 0], sizes = [768, 128], strides = [1, 1]} : vector<800x128xbf16> to vector<768x128xbf16>
      %swap3A_220 = arith.constant 0 : index
      %swap3A_221 = arith.constant 256 : index
      %swap3A_222 = vector.load %arg19[%swap3A_220, %swap3A_221] : memref<768x1024xbf16, #tpu.memory_space<vmem>>, vector<768x128xbf16>
      tpu.vector_store %arg19[%swap3A_220, %swap3A_221], %slice3A_219 {strides = array<i32>} : memref<768x1024xbf16, #tpu.memory_space<vmem>>, vector<768x128xbf16>,
      %slice3A_223 = vector.extract_strided_slice %convert_element_type3A_218 {offsets = [768, 0], sizes = [32, 128], strides = [1, 1]} : vector<800x128xbf16> to vector<32x128xbf16>
      %swap3A_224 = arith.constant 0 : index
      %swap3A_225 = arith.constant 256 : index
      %swap3A_226 = vector.load %arg20[%swap3A_224, %swap3A_225] : memref<32x1024xbf16, #tpu.memory_space<vmem>>, vector<32x128xbf16>
      tpu.vector_store %arg20[%swap3A_224, %swap3A_225], %slice3A_223 {strides = array<i32>} : memref<32x1024xbf16, #tpu.memory_space<vmem>>, vector<32x128xbf16>,
      %get3A_227 = arith.constant 2400 : index
      %get3A_228 = arith.constant 0 : index
      %get3A_229 = vector.load %arg10[%get3A_227, %get3A_228] : memref<6400x128xf32, #tpu.memory_space<vmem>>, vector<800x128xf32>
      %convert_element_type3A_230 = arith.truncf %get3A_229 : vector<800x128xf32> to vector<800x128xbf16>
      %slice3A_231 = vector.extract_strided_slice %convert_element_type3A_230 {offsets = [0, 0], sizes = [768, 128], strides = [1, 1]} : vector<800x128xbf16> to vector<768x128xbf16>
      %swap3A_232 = arith.constant 0 : index
      %swap3A_233 = arith.constant 384 : index
      %swap3A_234 = vector.load %arg19[%swap3A_232, %swap3A_233] : memref<768x1024xbf16, #tpu.memory_space<vmem>>, vector<768x128xbf16>
      tpu.vector_store %arg19[%swap3A_232, %swap3A_233], %slice3A_231 {strides = array<i32>} : memref<768x1024xbf16, #tpu.memory_space<vmem>>, vector<768x128xbf16>,
      %slice3A_235 = vector.extract_strided_slice %convert_element_type3A_230 {offsets = [768, 0], sizes = [32, 128], strides = [1, 1]} : vector<800x128xbf16> to vector<32x128xbf16>
      %swap3A_236 = arith.constant 0 : index
      %swap3A_237 = arith.constant 384 : index
      %swap3A_238 = vector.load %arg20[%swap3A_236, %swap3A_237] : memref<32x1024xbf16, #tpu.memory_space<vmem>>, vector<32x128xbf16>
      tpu.vector_store %arg20[%swap3A_236, %swap3A_237], %slice3A_235 {strides = array<i32>} : memref<32x1024xbf16, #tpu.memory_space<vmem>>, vector<32x128xbf16>,
      %get3A_239 = arith.constant 3200 : index
      %get3A_240 = arith.constant 0 : index
      %get3A_241 = vector.load %arg10[%get3A_239, %get3A_240] : memref<6400x128xf32, #tpu.memory_space<vmem>>, vector<800x128xf32>
      %convert_element_type3A_242 = arith.truncf %get3A_241 : vector<800x128xf32> to vector<800x128xbf16>
      %slice3A_243 = vector.extract_strided_slice %convert_element_type3A_242 {offsets = [0, 0], sizes = [768, 128], strides = [1, 1]} : vector<800x128xbf16> to vector<768x128xbf16>
      %swap3A_244 = arith.constant 0 : index
      %swap3A_245 = arith.constant 512 : index
      %swap3A_246 = vector.load %arg19[%swap3A_244, %swap3A_245] : memref<768x1024xbf16, #tpu.memory_space<vmem>>, vector<768x128xbf16>
      tpu.vector_store %arg19[%swap3A_244, %swap3A_245], %slice3A_243 {strides = array<i32>} : memref<768x1024xbf16, #tpu.memory_space<vmem>>, vector<768x128xbf16>,
      %slice3A_247 = vector.extract_strided_slice %convert_element_type3A_242 {offsets = [768, 0], sizes = [32, 128], strides = [1, 1]} : vector<800x128xbf16> to vector<32x128xbf16>
      %swap3A_248 = arith.constant 0 : index
      %swap3A_249 = arith.constant 512 : index
      %swap3A_250 = vector.load %arg20[%swap3A_248, %swap3A_249] : memref<32x1024xbf16, #tpu.memory_space<vmem>>, vector<32x128xbf16>
      tpu.vector_store %arg20[%swap3A_248, %swap3A_249], %slice3A_247 {strides = array<i32>} : memref<32x1024xbf16, #tpu.memory_space<vmem>>, vector<32x128xbf16>,
      %get3A_251 = arith.constant 4000 : index
      %get3A_252 = arith.constant 0 : index
      %get3A_253 = vector.load %arg10[%get3A_251, %get3A_252] : memref<6400x128xf32, #tpu.memory_space<vmem>>, vector<800x128xf32>
      %convert_element_type3A_254 = arith.truncf %get3A_253 : vector<800x128xf32> to vector<800x128xbf16>
      %slice3A_255 = vector.extract_strided_slice %convert_element_type3A_254 {offsets = [0, 0], sizes = [768, 128], strides = [1, 1]} : vector<800x128xbf16> to vector<768x128xbf16>
      %swap3A_256 = arith.constant 0 : index
      %swap3A_257 = arith.constant 640 : index
      %swap3A_258 = vector.load %arg19[%swap3A_256, %swap3A_257] : memref<768x1024xbf16, #tpu.memory_space<vmem>>, vector<768x128xbf16>
      tpu.vector_store %arg19[%swap3A_256, %swap3A_257], %slice3A_255 {strides = array<i32>} : memref<768x1024xbf16, #tpu.memory_space<vmem>>, vector<768x128xbf16>,
      %slice3A_259 = vector.extract_strided_slice %convert_element_type3A_254 {offsets = [768, 0], sizes = [32, 128], strides = [1, 1]} : vector<800x128xbf16> to vector<32x128xbf16>
      %swap3A_260 = arith.constant 0 : index
      %swap3A_261 = arith.constant 640 : index
      %swap3A_262 = vector.load %arg20[%swap3A_260, %swap3A_261] : memref<32x1024xbf16, #tpu.memory_space<vmem>>, vector<32x128xbf16>
      tpu.vector_store %arg20[%swap3A_260, %swap3A_261], %slice3A_259 {strides = array<i32>} : memref<32x1024xbf16, #tpu.memory_space<vmem>>, vector<32x128xbf16>,
      %get3A_263 = arith.constant 4800 : index
      %get3A_264 = arith.constant 0 : index
      %get3A_265 = vector.load %arg10[%get3A_263, %get3A_264] : memref<6400x128xf32, #tpu.memory_space<vmem>>, vector<800x128xf32>
      %convert_element_type3A_266 = arith.truncf %get3A_265 : vector<800x128xf32> to vector<800x128xbf16>
      %slice3A_267 = vector.extract_strided_slice %convert_element_type3A_266 {offsets = [0, 0], sizes = [768, 128], strides = [1, 1]} : vector<800x128xbf16> to vector<768x128xbf16>
      %swap3A_268 = arith.constant 0 : index
      %swap3A_269 = arith.constant 768 : index
      %swap3A_270 = vector.load %arg19[%swap3A_268, %swap3A_269] : memref<768x1024xbf16, #tpu.memory_space<vmem>>, vector<768x128xbf16>
      tpu.vector_store %arg19[%swap3A_268, %swap3A_269], %slice3A_267 {strides = array<i32>} : memref<768x1024xbf16, #tpu.memory_space<vmem>>, vector<768x128xbf16>,
      %slice3A_271 = vector.extract_strided_slice %convert_element_type3A_266 {offsets = [768, 0], sizes = [32, 128], strides = [1, 1]} : vector<800x128xbf16> to vector<32x128xbf16>
      %swap3A_272 = arith.constant 0 : index
      %swap3A_273 = arith.constant 768 : index
      %swap3A_274 = vector.load %arg20[%swap3A_272, %swap3A_273] : memref<32x1024xbf16, #tpu.memory_space<vmem>>, vector<32x128xbf16>
      tpu.vector_store %arg20[%swap3A_272, %swap3A_273], %slice3A_271 {strides = array<i32>} : memref<32x1024xbf16, #tpu.memory_space<vmem>>, vector<32x128xbf16>,
      %get3A_275 = arith.constant 5600 : index
      %get3A_276 = arith.constant 0 : index
      %get3A_277 = vector.load %arg10[%get3A_275, %get3A_276] : memref<6400x128xf32, #tpu.memory_space<vmem>>, vector<800x128xf32>
      %convert_element_type3A_278 = arith.truncf %get3A_277 : vector<800x128xf32> to vector<800x128xbf16>
      %slice3A_279 = vector.extract_strided_slice %convert_element_type3A_278 {offsets = [0, 0], sizes = [768, 128], strides = [1, 1]} : vector<800x128xbf16> to vector<768x128xbf16>
      %swap3A_280 = arith.constant 0 : index
      %swap3A_281 = arith.constant 896 : index
      %swap3A_282 = vector.load %arg19[%swap3A_280, %swap3A_281] : memref<768x1024xbf16, #tpu.memory_space<vmem>>, vector<768x128xbf16>
      tpu.vector_store %arg19[%swap3A_280, %swap3A_281], %slice3A_279 {strides = array<i32>} : memref<768x1024xbf16, #tpu.memory_space<vmem>>, vector<768x128xbf16>,
      %slice3A_283 = vector.extract_strided_slice %convert_element_type3A_278 {offsets = [768, 0], sizes = [32, 128], strides = [1, 1]} : vector<800x128xbf16> to vector<32x128xbf16>
      %swap3A_284 = arith.constant 0 : index
      %swap3A_285 = arith.constant 896 : index
      %swap3A_286 = vector.load %arg20[%swap3A_284, %swap3A_285] : memref<32x1024xbf16, #tpu.memory_space<vmem>>, vector<32x128xbf16>
      tpu.vector_store %arg20[%swap3A_284, %swap3A_285], %slice3A_283 {strides = array<i32>} : memref<32x1024xbf16, #tpu.memory_space<vmem>>, vector<32x128xbf16>,
      %get3A_287 = arith.constant 0 : index
      %get3A_288 = arith.constant 0 : index
      %get3A_289 = vector.load %arg12[%get3A_287, %get3A_288] : memref<1024x768xf32, #tpu.memory_space<vmem>>, vector<1024x768xf32>
      %convert_element_type3A_290 = arith.truncf %get3A_289 : vector<1024x768xf32> to vector<1024x768xbf16>
      %swap3A_291 = arith.constant 0 : index
      %swap3A_292 = arith.constant 0 : index
      %swap3A_293 = vector.load %arg21[%swap3A_291, %swap3A_292] : memref<1024x768xbf16, #tpu.memory_space<vmem>>, vector<1024x768xbf16>
      tpu.vector_store %arg21[%swap3A_291, %swap3A_292], %convert_element_type3A_290 {strides = array<i32>} : memref<1024x768xbf16, #tpu.memory_space<vmem>>, vector<1024x768xbf16>,
    } else {
    }
    %get3A_34 = arith.constant 0 : index
    %get3A_35 = arith.constant 0 : index
    %get3A_36 = vector.load %arg2[%get3A_34, %get3A_35] : memref<512x768xf32, #tpu.memory_space<vmem>>, vector<512x768xf32>
    %get3A_37 = arith.constant 0 : index
    %get3A_38 = arith.constant 0 : index
    %get3A_39 = vector.load %arg3[%get3A_37, %get3A_38] : memref<512x32xf32, #tpu.memory_space<vmem>>, vector<512x32xf32>
    %get3A_40 = arith.constant 0 : index
    %get3A_41 = arith.constant 0 : index
    %get3A_42 = vector.load %arg4[%get3A_40, %get3A_41] : memref<32x32xf32, #tpu.memory_space<vmem>>, vector<32x32xf32>
    %dot_general3A = arith.constant dense<0.000000e+00> : vector<512x32xf32>
    %dot_general3A_43 = tpu.matmul %get3A_39, %get3A_42, %dot_general3A {dimension_numbers = #tpu.dot_dimension_numbers<[1], [0], [0], [1], [0, 0, 1, 1], [], []>, transpose_lhs_hint = false} : vector<512x32xf32>, vector<32x32xf32>, vector<512x32xf32> -> vector<512x32xf32>
    %get3A_44 = arith.constant 0 : index
    %get3A_45 = vector.load %arg5[%get3A_44] : memref<32xf32, #tpu.memory_space<vmem>>, vector<32xf32>
    %broadcast_in_dim3A = vector.shape_cast %get3A_45 : vector<32xf32> to vector<1x32xf32>
    %add3A_46 = vector.broadcast %broadcast_in_dim3A : vector<1x32xf32> to vector<512x32xf32>
    %add3A_47 = arith.addf %dot_general3A_43, %add3A_46 : vector<512x32xf32>
    %integer_pow3A = arith.mulf %add3A_47, %add3A_47 : vector<512x32xf32>
    %integer_pow3A_48 = arith.mulf %add3A_47, %integer_pow3A : vector<512x32xf32>
    %mul3A_49 = arith.constant 4.471500e-02 : f32
    %mul3A_50 = vector.broadcast %mul3A_49 : f32 to vector<512x32xf32>
    %mul3A_51 = arith.mulf %mul3A_50, %integer_pow3A_48 : vector<512x32xf32>
    %add3A_52 = arith.addf %add3A_47, %mul3A_51 : vector<512x32xf32>
    %mul3A_53 = arith.constant 0.797884583 : f32
    %mul3A_54 = vector.broadcast %mul3A_53 : f32 to vector<512x32xf32>
    %mul3A_55 = arith.mulf %mul3A_54, %add3A_52 : vector<512x32xf32>
    %tanh3A = math.tanh %mul3A_55 : vector<512x32xf32>
    %add3A_56 = arith.constant 1.000000e+00 : f32
    %add3A_57 = vector.broadcast %add3A_56 : f32 to vector<512x32xf32>
    %add3A_58 = arith.addf %add3A_57, %tanh3A : vector<512x32xf32>
    %mul3A_59 = arith.constant 5.000000e-01 : f32
    %mul3A_60 = vector.broadcast %mul3A_59 : f32 to vector<512x32xf32>
    %mul3A_61 = arith.mulf %mul3A_60, %add3A_58 : vector<512x32xf32>
    %mul3A_62 = arith.mulf %add3A_47, %mul3A_61 : vector<512x32xf32>
    %get3A_63 = arith.constant 0 : index
    %get3A_64 = arith.constant 0 : index
    %get3A_65 = vector.load %arg6[%get3A_63, %get3A_64] : memref<800x128xf32, #tpu.memory_space<vmem>>, vector<768x128xf32>
    %dot_general3A_66 = arith.constant dense<0.000000e+00> : vector<512x128xf32>
    %dot_general3A_67 = tpu.matmul %get3A_36, %get3A_65, %dot_general3A_66 {dimension_numbers = #tpu.dot_dimension_numbers<[1], [0], [0], [1], [0, 0, 1, 1], [], []>, transpose_lhs_hint = false} : vector<512x768xf32>, vector<768x128xf32>, vector<512x128xf32> -> vector<512x128xf32>
    %get3A_68 = arith.constant 768 : index
    %get3A_69 = arith.constant 0 : index
    %get3A_70 = vector.load %arg6[%get3A_68, %get3A_69] : memref<800x128xf32, #tpu.memory_space<vmem>>, vector<32x128xf32>
    %dot_general3A_71 = arith.constant dense<0.000000e+00> : vector<512x128xf32>
    %dot_general3A_72 = tpu.matmul %mul3A_62, %get3A_70, %dot_general3A_71 {dimension_numbers = #tpu.dot_dimension_numbers<[1], [0], [0], [1], [0, 0, 1, 1], [], []>, transpose_lhs_hint = false} : vector<512x32xf32>, vector<32x128xf32>, vector<512x128xf32> -> vector<512x128xf32>
    %add3A_73 = arith.addf %dot_general3A_67, %dot_general3A_72 : vector<512x128xf32>
    %get3A_74 = arith.constant 0 : index
    %get3A_75 = vector.load %arg7[%get3A_74] : memref<128xf32, #tpu.memory_space<vmem>>, vector<128xf32>
    %broadcast_in_dim3A_76 = vector.shape_cast %get3A_75 : vector<128xf32> to vector<1x128xf32>
    %add3A_77 = vector.broadcast %broadcast_in_dim3A_76 : vector<1x128xf32> to vector<512x128xf32>
    %add3A_78 = arith.addf %add3A_73, %add3A_77 : vector<512x128xf32>
    %integer_pow3A_79 = arith.mulf %add3A_78, %add3A_78 : vector<512x128xf32>
    %integer_pow3A_80 = arith.mulf %add3A_78, %integer_pow3A_79 : vector<512x128xf32>
    %mul3A_81 = arith.constant 4.471500e-02 : f32
    %mul3A_82 = vector.broadcast %mul3A_81 : f32 to vector<512x128xf32>
    %mul3A_83 = arith.mulf %mul3A_82, %integer_pow3A_80 : vector<512x128xf32>
    %add3A_84 = arith.addf %add3A_78, %mul3A_83 : vector<512x128xf32>
    %mul3A_85 = arith.constant 0.797884583 : f32
    %mul3A_86 = vector.broadcast %mul3A_85 : f32 to vector<512x128xf32>
    %mul3A_87 = arith.mulf %mul3A_86, %add3A_84 : vector<512x128xf32>
    %tanh3A_88 = math.tanh %mul3A_87 : vector<512x128xf32>
    %add3A_89 = arith.constant 1.000000e+00 : f32
    %add3A_90 = vector.broadcast %add3A_89 : f32 to vector<512x128xf32>
    %add3A_91 = arith.addf %add3A_90, %tanh3A_88 : vector<512x128xf32>
    %mul3A_92 = arith.constant 5.000000e-01 : f32
    %mul3A_93 = vector.broadcast %mul3A_92 : f32 to vector<512x128xf32>
    %mul3A_94 = arith.mulf %mul3A_93, %add3A_91 : vector<512x128xf32>
    %mul3A_95 = arith.mulf %add3A_78, %mul3A_94 : vector<512x128xf32>
    %get3A_96 = arith.constant 0 : index
    %get3A_97 = arith.constant 0 : index
    %get3A_98 = vector.load %arg8[%get3A_96, %get3A_97] : memref<128x8xf32, #tpu.memory_space<vmem>>, vector<128x8xf32>
    %dot_general3A_99 = arith.constant dense<0.000000e+00> : vector<8x512xf32>
    %dot_general3A_100 = tpu.matmul %get3A_98, %mul3A_95, %dot_general3A_99 {dimension_numbers = #tpu.dot_dimension_numbers<[0], [1], [1], [0], [0, 1, 1, 0], [], []>, transpose_lhs_hint = false} : vector<128x8xf32>, vector<512x128xf32>, vector<8x512xf32> -> vector<8x512xf32>
    %get3A_101 = arith.constant 0 : index
    %get3A_102 = arith.constant 0 : index
    %get3A_103 = vector.load %arg9[%get3A_101, %get3A_102] : memref<8x1xf32, #tpu.memory_space<vmem>>, vector<8x1xf32>
    %add3A_104 = vector.broadcast %get3A_103 : vector<8x1xf32> to vector<8x512xf32>
    %add3A_105 = arith.addf %dot_general3A_100, %add3A_104 : vector<8x512xf32>
    %swap3A = arith.constant 0 : index
    %swap3A_106 = arith.constant 0 : index
    %swap3A_107 = vector.load %arg17[%swap3A, %swap3A_106] : memref<8x512xf32, #tpu.memory_space<vmem>>, vector<8x512xf32>
    tpu.vector_store %arg17[%swap3A, %swap3A_106], %add3A_105 {strides = array<i32>} : memref<8x512xf32, #tpu.memory_space<vmem>>, vector<8x512xf32>,
    %iota3A = tpu.iota {dimensions = array<i32: 0>} : vector<8x512xi32>
    %reduce_max3A = arith.constant dense<0xFF800000> : vector<512xf32>
    %reduce_max3A_108 = vector.multi_reduction <maximumf>, %add3A_105, %reduce_max3A [0] : vector<8x512xf32> to vector<512xf32>
    %broadcast_in_dim3A_109 = vector.shape_cast %reduce_max3A_108 : vector<512xf32> to vector<1x512xf32>
    %eq3A_110 = vector.broadcast %broadcast_in_dim3A_109 : vector<1x512xf32> to vector<8x512xf32>
    %eq3A_111 = arith.cmpf oeq, %add3A_105, %eq3A_110 : vector<8x512xf32>
    %jit3A_112 = arith.constant 8 : i32
    %broadcast_in_dim3A_113 = vector.broadcast %jit3A_112 : i32 to vector<8x512xi32>
    %select_n3A_114 = arith.select %eq3A_111, %iota3A, %broadcast_in_dim3A_113 : vector<8x512xi1>, vector<8x512xi32>
    %reduce_min3A = arith.constant dense<2147483647> : vector<512xi32>
    %reduce_min3A_115 = vector.multi_reduction <minsi>, %select_n3A_114, %reduce_min3A [0] : vector<8x512xi32> to vector<512xi32>
    %broadcast_in_dim3A_116 = vector.shape_cast %reduce_min3A_115 : vector<512xi32> to vector<1x512xi32>
    %eq3A_117 = vector.broadcast %broadcast_in_dim3A_116 : vector<1x512xi32> to vector<8x512xi32>
    %eq3A_118 = arith.cmpi eq, %iota3A, %eq3A_117 : vector<8x512xi32>
    %jit3A_119 = arith.constant -3.40282347E+38 : f32
    %broadcast_in_dim3A_120 = vector.broadcast %jit3A_119 : f32 to vector<8x512xf32>
    %select_n3A_121 = arith.select %eq3A_118, %broadcast_in_dim3A_120, %add3A_105 : vector<8x512xi1>, vector<8x512xf32>
    %reduce_max3A_122 = arith.constant dense<0xFF800000> : vector<512xf32>
    %reduce_max3A_123 = vector.multi_reduction <maximumf>, %select_n3A_121, %reduce_max3A_122 [0] : vector<8x512xf32> to vector<512xf32>
    %broadcast_in_dim3A_124 = vector.shape_cast %reduce_max3A_123 : vector<512xf32> to vector<1x512xf32>
    %eq3A_125 = vector.broadcast %broadcast_in_dim3A_124 : vector<1x512xf32> to vector<8x512xf32>
    %eq3A_126 = arith.cmpf oeq, %select_n3A_121, %eq3A_125 : vector<8x512xf32>
    %jit3A_127 = arith.constant 8 : i32
    %broadcast_in_dim3A_128 = vector.broadcast %jit3A_127 : i32 to vector<8x512xi32>
    %select_n3A_129 = arith.select %eq3A_126, %iota3A, %broadcast_in_dim3A_128 : vector<8x512xi1>, vector<8x512xi32>
    %reduce_min3A_130 = arith.constant dense<2147483647> : vector<512xi32>
    %reduce_min3A_131 = vector.multi_reduction <minsi>, %select_n3A_129, %reduce_min3A_130 [0] : vector<8x512xi32> to vector<512xi32>
    %broadcast_in_dim3A_132 = vector.shape_cast %reduce_min3A_131 : vector<512xi32> to vector<1x512xi32>
    %sub3A_133 = arith.subf %broadcast_in_dim3A_124, %broadcast_in_dim3A_109 : vector<1x512xf32>
    %exp3A = math.exp %sub3A_133 : vector<1x512xf32>
    %add3A_134 = arith.constant 1.000000e+00 : f32
    %add3A_135 = vector.broadcast %add3A_134 : f32 to vector<1x512xf32>
    %add3A_136 = arith.addf %add3A_135, %exp3A : vector<1x512xf32>
    %div3A_137 = arith.constant 1.000000e+00 : f32
    %div3A_138 = vector.broadcast %div3A_137 : f32 to vector<1x512xf32>
    %div3A_139 = arith.divf %div3A_138, %add3A_136 : vector<1x512xf32>
    %sub3A_140 = arith.constant 1.000000e+00 : f32
    %sub3A_141 = vector.broadcast %sub3A_140 : f32 to vector<1x512xf32>
    %sub3A_142 = arith.subf %sub3A_141, %div3A_139 : vector<1x512xf32>
    %eq3A_143 = vector.broadcast %broadcast_in_dim3A_116 : vector<1x512xi32> to vector<8x512xi32>
    %eq3A_144 = arith.cmpi eq, %iota3A, %eq3A_143 : vector<8x512xi32>
    %jit3A_145 = arith.constant 0.000000e+00 : f32
    %broadcast_in_dim3A_146 = vector.shape_cast %div3A_139 : vector<1x512xf32> to vector<1x512xf32>
    %broadcast_in_dim3A_147 = vector.broadcast %broadcast_in_dim3A_146 : vector<1x512xf32> to vector<8x512xf32>
    %broadcast_in_dim3A_148 = vector.broadcast %jit3A_145 : f32 to vector<8x512xf32>
    %select_n3A_149 = arith.select %eq3A_144, %broadcast_in_dim3A_147, %broadcast_in_dim3A_148 : vector<8x512xi1>, vector<8x512xf32>
    %eq3A_150 = vector.broadcast %broadcast_in_dim3A_132 : vector<1x512xi32> to vector<8x512xi32>
    %eq3A_151 = arith.cmpi eq, %iota3A, %eq3A_150 : vector<8x512xi32>
    %jit3A_152 = arith.constant 0.000000e+00 : f32
    %broadcast_in_dim3A_153 = vector.shape_cast %sub3A_142 : vector<1x512xf32> to vector<1x512xf32>
    %broadcast_in_dim3A_154 = vector.broadcast %broadcast_in_dim3A_153 : vector<1x512xf32> to vector<8x512xf32>
    %broadcast_in_dim3A_155 = vector.broadcast %jit3A_152 : f32 to vector<8x512xf32>
    %select_n3A_156 = arith.select %eq3A_151, %broadcast_in_dim3A_154, %broadcast_in_dim3A_155 : vector<8x512xi1>, vector<8x512xf32>
    %add3A_157 = arith.addf %select_n3A_149, %select_n3A_156 : vector<8x512xf32>
    %swap3A_158 = arith.constant 0 : index
    %swap3A_159 = arith.constant 0 : index
    %swap3A_160 = vector.load %arg16[%swap3A_158, %swap3A_159] : memref<8x512xf32, #tpu.memory_space<vmem>>, vector<8x512xf32>
    tpu.vector_store %arg16[%swap3A_158, %swap3A_159], %add3A_157 {strides = array<i32>} : memref<8x512xf32, #tpu.memory_space<vmem>>, vector<8x512xf32>,
    %eq3A_161 = arith.constant 0 : i32
    %eq3A_162 = arith.cmpi eq, %arg0, %eq3A_161 : i32
    %convert_element_type3A_163 = arith.extui %eq3A_162 : i1 to i32
    %cond3A_164 = arith.constant 0 : i32
    %cond3A_165 = arith.cmpi ne, %convert_element_type3A_163, %cond3A_164 : i32
    scf.if %cond3A_165 {
      %broadcast_in_dim3A_192 = arith.constant 0.000000e+00 : f32
      %broadcast_in_dim3A_193 = vector.broadcast %broadcast_in_dim3A_192 : f32 to vector<8x1xf32>
      %swap3A_194 = arith.constant 0 : index
      %swap3A_195 = arith.constant 0 : index
      %swap3A_196 = vector.load %arg18[%swap3A_194, %swap3A_195] : memref<8x1xf32, #tpu.memory_space<vmem>>, vector<8x1xf32>
      tpu.vector_store %arg18[%swap3A_194, %swap3A_195], %broadcast_in_dim3A_193 {strides = array<i32>} : memref<8x1xf32, #tpu.memory_space<vmem>>, vector<8x1xf32>,
    } else {
    }
    %get3A_166 = arith.constant 0 : index
    %get3A_167 = arith.constant 0 : index
    %get3A_168 = vector.load %arg18[%get3A_166, %get3A_167] : memref<8x1xf32, #tpu.memory_space<vmem>>, vector<8x1xf32>
    %reduce_sum3A = arith.constant dense<0.000000e+00> : vector<8xf32>
    %reduce_sum3A_169 = vector.multi_reduction <add>, %add3A_157, %reduce_sum3A [1] : vector<8x512xf32> to vector<8xf32>
    %broadcast_in_dim3A_170 = vector.shape_cast %reduce_sum3A_169 : vector<8xf32> to vector<8x1xf32>
    %mul3A_171 = arith.constant 2.44140625E-4 : f32
    %mul3A_172 = vector.broadcast %mul3A_171 : f32 to vector<8x1xf32>
    %mul3A_173 = arith.mulf %broadcast_in_dim3A_170, %mul3A_172 : vector<8x1xf32>
    %add3A_174 = arith.addf %get3A_168, %mul3A_173 : vector<8x1xf32>
    %swap3A_175 = arith.constant 0 : index
    %swap3A_176 = arith.constant 0 : index
    %swap3A_177 = vector.load %arg18[%swap3A_175, %swap3A_176] : memref<8x1xf32, #tpu.memory_space<vmem>>, vector<8x1xf32>
    tpu.vector_store %arg18[%swap3A_175, %swap3A_176], %add3A_174 {strides = array<i32>} : memref<8x1xf32, #tpu.memory_space<vmem>>, vector<8x1xf32>,
    %iota3A_178 = tpu.iota {dimensions = array<i32: 1>} : vector<1x512xi32>
    %add3A_179 = vector.broadcast %mul3A_29 : i32 to vector<1x512xi32>
    %add3A_180 = arith.addi %iota3A_178, %add3A_179 : vector<1x512xi32>
    %lt3A_181 = vector.broadcast %get3A_30 : i32 to vector<1x512xi32>
    %lt3A_182 = arith.cmpi slt, %add3A_180, %lt3A_181 : vector<1x512xi32>
    %convert_element_type3A_183 = arith.extui %lt3A_182 : vector<1x512xi1> to vector<1x512xi32>
    %convert_element_type3A_184 = arith.sitofp %convert_element_type3A_183 : vector<1x512xi32> to vector<1x512xf32>
    %lt3A_185 = arith.cmpi slt, %mul3A_29, %get3A_30 : i32
    %convert_element_type3A_186 = arith.extui %lt3A_185 : i1 to i32
    %cond3A_187 = arith.constant 0 : i32
    %cond3A_188 = arith.cmpi ne, %convert_element_type3A_186, %cond3A_187 : i32
    scf.if %cond3A_188 {
      %mul3A_192 = vector.broadcast %convert_element_type3A_184 : vector<1x512xf32> to vector<8x512xf32>
      %mul3A_193 = arith.mulf %add3A_157, %mul3A_192 : vector<8x512xf32>
      %convert_element_type3A_194 = arith.truncf %get3A_36 : vector<512x768xf32> to vector<512x768xbf16>
      %get3A_195 = arith.constant 0 : index
      %get3A_196 = arith.constant 0 : index
      %get3A_197 = vector.load %arg19[%get3A_195, %get3A_196] : memref<768x1024xbf16, #tpu.memory_space<vmem>>, vector<768x1024xbf16>
      %dot_general3A_198 = arith.constant dense<0.000000e+00> : vector<512x1024xf32>
      %dot_general3A_199 = tpu.matmul %convert_element_type3A_194, %get3A_197, %dot_general3A_198 {dimension_numbers = #tpu.dot_dimension_numbers<[1], [0], [0], [1], [0, 0, 1, 1], [], []>, transpose_lhs_hint = false} : vector<512x768xbf16>, vector<768x1024xbf16>, vector<512x1024xf32> -> vector<512x1024xf32>
      %convert_element_type3A_200 = arith.truncf %mul3A_62 : vector<512x32xf32> to vector<512x32xbf16>
      %get3A_201 = arith.constant 0 : index
      %get3A_202 = arith.constant 0 : index
      %get3A_203 = vector.load %arg20[%get3A_201, %get3A_202] : memref<32x1024xbf16, #tpu.memory_space<vmem>>, vector<32x1024xbf16>
      %dot_general3A_204 = arith.constant dense<0.000000e+00> : vector<512x1024xf32>
      %dot_general3A_205 = tpu.matmul %convert_element_type3A_200, %get3A_203, %dot_general3A_204 {dimension_numbers = #tpu.dot_dimension_numbers<[1], [0], [0], [1], [0, 0, 1, 1], [], []>, transpose_lhs_hint = false} : vector<512x32xbf16>, vector<32x1024xbf16>, vector<512x1024xf32> -> vector<512x1024xf32>
      %add3A_206 = arith.addf %dot_general3A_199, %dot_general3A_205 : vector<512x1024xf32>
      %get3A_207 = arith.constant 0 : index
      %get3A_208 = arith.constant 0 : index
      %get3A_209 = vector.load %arg11[%get3A_207, %get3A_208] : memref<1x1024xf32, #tpu.memory_space<vmem>>, vector<1x1024xf32>
      %add3A_210 = vector.broadcast %get3A_209 : vector<1x1024xf32> to vector<512x1024xf32>
      %add3A_211 = arith.addf %add3A_206, %add3A_210 : vector<512x1024xf32>
      %integer_pow3A_212 = arith.mulf %add3A_211, %add3A_211 : vector<512x1024xf32>
      %integer_pow3A_213 = arith.mulf %add3A_211, %integer_pow3A_212 : vector<512x1024xf32>
      %mul3A_214 = arith.constant 4.471500e-02 : f32
      %mul3A_215 = vector.broadcast %mul3A_214 : f32 to vector<512x1024xf32>
      %mul3A_216 = arith.mulf %mul3A_215, %integer_pow3A_213 : vector<512x1024xf32>
      %add3A_217 = arith.addf %add3A_211, %mul3A_216 : vector<512x1024xf32>
      %mul3A_218 = arith.constant 0.797884583 : f32
      %mul3A_219 = vector.broadcast %mul3A_218 : f32 to vector<512x1024xf32>
      %mul3A_220 = arith.mulf %mul3A_219, %add3A_217 : vector<512x1024xf32>
      %tanh3A_221 = math.tanh %mul3A_220 : vector<512x1024xf32>
      %add3A_222 = arith.constant 1.000000e+00 : f32
      %add3A_223 = vector.broadcast %add3A_222 : f32 to vector<512x1024xf32>
      %add3A_224 = arith.addf %add3A_223, %tanh3A_221 : vector<512x1024xf32>
      %mul3A_225 = arith.constant 5.000000e-01 : f32
      %mul3A_226 = vector.broadcast %mul3A_225 : f32 to vector<512x1024xf32>
      %mul3A_227 = arith.mulf %mul3A_226, %add3A_224 : vector<512x1024xf32>
      %mul3A_228 = arith.mulf %add3A_211, %mul3A_227 : vector<512x1024xf32>
      %iota3A_229 = tpu.iota {dimensions = array<i32: 1>} : vector<8x1024xi32>
      %jit3A_230 = arith.constant 128 : i32
      %div3A_231 = vector.broadcast %jit3A_230 : i32 to vector<8x1024xi32>
      %div3A_232 = arith.divsi %iota3A_229, %div3A_231 : vector<8x1024xi32>
      %sign3A_233 = arith.constant 0 : i32
      %sign3A_234 = vector.broadcast %sign3A_233 : i32 to vector<8x1024xi32>
      %sign3A_235 = arith.cmpi sgt, %iota3A_229, %sign3A_234 : vector<8x1024xi32>
      %sign3A_236 = arith.extui %sign3A_235 : vector<8x1024xi1> to vector<8x1024xi32>
      %sign3A_237 = arith.constant 0 : i32
      %sign3A_238 = vector.broadcast %sign3A_237 : i32 to vector<8x1024xi32>
      %sign3A_239 = arith.cmpi slt, %iota3A_229, %sign3A_238 : vector<8x1024xi32>
      %sign3A_240 = arith.extui %sign3A_239 : vector<8x1024xi1> to vector<8x1024xi32>
      %sign3A_241 = arith.subi %sign3A_236, %sign3A_240 : vector<8x1024xi32>
      %sign3A_242 = arith.constant 0 : i32
      %sign3A_243 = arith.cmpi sgt, %jit3A_230, %sign3A_242 : i32
      %sign3A_244 = arith.extui %sign3A_243 : i1 to i32
      %sign3A_245 = arith.constant 0 : i32
      %sign3A_246 = arith.cmpi slt, %jit3A_230, %sign3A_245 : i32
      %sign3A_247 = arith.extui %sign3A_246 : i1 to i32
      %sign3A_248 = arith.subi %sign3A_244, %sign3A_247 : i32
      %ne3A_249 = vector.broadcast %sign3A_248 : i32 to vector<8x1024xi32>
      %ne3A_250 = arith.cmpi ne, %sign3A_241, %ne3A_249 : vector<8x1024xi32>
      %rem3A_251 = vector.broadcast %jit3A_230 : i32 to vector<8x1024xi32>
      %rem3A_252 = arith.remsi %iota3A_229, %rem3A_251 : vector<8x1024xi32>
      %ne3A_253 = arith.constant 0 : i32
      %ne3A_254 = vector.broadcast %ne3A_253 : i32 to vector<8x1024xi32>
      %ne3A_255 = arith.cmpi ne, %rem3A_252, %ne3A_254 : vector<8x1024xi32>
      %and3A_256 = arith.andi %ne3A_250, %ne3A_255 : vector<8x1024xi1>
      %sub3A_257 = arith.constant 1 : i32
      %sub3A_258 = vector.broadcast %sub3A_257 : i32 to vector<8x1024xi32>
      %sub3A_259 = arith.subi %div3A_232, %sub3A_258 : vector<8x1024xi32>
      %select_n3A_260 = arith.select %and3A_256, %sub3A_259, %div3A_232 : vector<8x1024xi1>, vector<8x1024xi32>
      %iota3A_261 = tpu.iota {dimensions = array<i32: 0>} : vector<8x1024xi32>
      %eq3A_262 = arith.cmpi eq, %select_n3A_260, %iota3A_261 : vector<8x1024xi32>
      %convert_element_type3A_263 = arith.extui %eq3A_262 : vector<8x1024xi1> to vector<8x1024xi32>
      %convert_element_type3A_264 = arith.sitofp %convert_element_type3A_263 : vector<8x1024xi32> to vector<8x1024xf32>
      %dot_general3A_265 = arith.constant dense<0.000000e+00> : vector<512x1024xf32>
      %dot_general3A_266 = tpu.matmul %mul3A_193, %convert_element_type3A_264, %dot_general3A_265 {dimension_numbers = #tpu.dot_dimension_numbers<[0], [0], [1], [1], [0, 1, 1, 1], [], []>, transpose_lhs_hint = false} : vector<8x512xf32>, vector<8x1024xf32>, vector<512x1024xf32> -> vector<512x1024xf32>
      %mul3A_267 = arith.mulf %mul3A_228, %dot_general3A_266 : vector<512x1024xf32>
      %convert_element_type3A_268 = arith.truncf %mul3A_267 : vector<512x1024xf32> to vector<512x1024xbf16>
      %get3A_269 = arith.constant 0 : index
      %get3A_270 = arith.constant 0 : index
      %get3A_271 = vector.load %arg21[%get3A_269, %get3A_270] : memref<1024x768xbf16, #tpu.memory_space<vmem>>, vector<1024x768xbf16>
      %dot_general3A_272 = arith.constant dense<0.000000e+00> : vector<512x768xf32>
      %dot_general3A_273 = tpu.matmul %convert_element_type3A_268, %get3A_271, %dot_general3A_272 {dimension_numbers = #tpu.dot_dimension_numbers<[1], [0], [0], [1], [0, 0, 1, 1], [], []>, transpose_lhs_hint = false} : vector<512x1024xbf16>, vector<1024x768xbf16>, vector<512x768xf32> -> vector<512x768xf32>
      %get3A_274 = arith.constant 0 : index
      %get3A_275 = arith.constant 0 : index
      %get3A_276 = vector.load %arg13[%get3A_274, %get3A_275] : memref<8x768xf32, #tpu.memory_space<vmem>>, vector<8x768xf32>
      %dot_general3A_277 = arith.constant dense<0.000000e+00> : vector<512x768xf32>
      %dot_general3A_278 = tpu.matmul %mul3A_193, %get3A_276, %dot_general3A_277 {dimension_numbers = #tpu.dot_dimension_numbers<[0], [0], [1], [1], [0, 1, 1, 1], [], []>, transpose_lhs_hint = false} : vector<8x512xf32>, vector<8x768xf32>, vector<512x768xf32> -> vector<512x768xf32>
      %add3A_279 = arith.addf %dot_general3A_273, %dot_general3A_278 : vector<512x768xf32>
      %swap3A_280 = arith.constant 0 : index
      %swap3A_281 = arith.constant 0 : index
      %swap3A_282 = vector.load %arg15[%swap3A_280, %swap3A_281] : memref<512x768xf32, #tpu.memory_space<vmem>>, vector<512x768xf32>
      tpu.vector_store %arg15[%swap3A_280, %swap3A_281], %add3A_279 {strides = array<i32>} : memref<512x768xf32, #tpu.memory_space<vmem>>, vector<512x768xf32>,
      %add3A_283 = arith.addf %get3A_36, %add3A_279 : vector<512x768xf32>
      %swap3A_284 = arith.constant 0 : index
      %swap3A_285 = arith.constant 0 : index
      %swap3A_286 = vector.load %arg14[%swap3A_284, %swap3A_285] : memref<512x768xf32, #tpu.memory_space<vmem>>, vector<512x768xf32>
      tpu.vector_store %arg14[%swap3A_284, %swap3A_285], %add3A_283 {strides = array<i32>} : memref<512x768xf32, #tpu.memory_space<vmem>>, vector<512x768xf32>,
    } else {
    }
    %ge3A = arith.cmpi sge, %mul3A_29, %get3A_30 : i32
    %convert_element_type3A_189 = arith.extui %ge3A : i1 to i32
    %cond3A_190 = arith.constant 0 : i32
    %cond3A_191 = arith.cmpi ne, %convert_element_type3A_189, %cond3A_190 : i32
    scf.if %cond3A_191 {
      %broadcast_in_dim3A_192 = arith.constant 0.000000e+00 : f32
      %broadcast_in_dim3A_193 = vector.broadcast %broadcast_in_dim3A_192 : f32 to vector<512x768xf32>
      %swap3A_194 = arith.constant 0 : index
      %swap3A_195 = arith.constant 0 : index
      %swap3A_196 = vector.load %arg15[%swap3A_194, %swap3A_195] : memref<512x768xf32, #tpu.memory_space<vmem>>, vector<512x768xf32>
      tpu.vector_store %arg15[%swap3A_194, %swap3A_195], %broadcast_in_dim3A_193 {strides = array<i32>} : memref<512x768xf32, #tpu.memory_space<vmem>>, vector<512x768xf32>,
      %swap3A_197 = arith.constant 0 : index
      %swap3A_198 = arith.constant 0 : index
      %swap3A_199 = vector.load %arg14[%swap3A_197, %swap3A_198] : memref<512x768xf32, #tpu.memory_space<vmem>>, vector<512x768xf32>
      tpu.vector_store %arg14[%swap3A_197, %swap3A_198], %get3A_36 {strides = array<i32>} : memref<512x768xf32, #tpu.memory_space<vmem>>, vector<512x768xf32>,
    } else {
    }
    return
  }
  func.func @transform_0(%arg0: i32) -> i32 {
    %c0_i32 = arith.constant 0 : i32
    %c0_i32_0 = arith.constant 0 : i32
    return %c0_i32 : i32
  }
  func.func @transform_1(%arg0: i32) -> (i32, i32) {
    %c0_i32 = arith.constant 0 : i32
    %c0_i32_0 = arith.constant 0 : i32
    return %arg0, %c0_i32 : i32, i32
  }
  func.func @transform_2(%arg0: i32) -> (i32, i32) {
    %c0_i32 = arith.constant 0 : i32
    %c0_i32_0 = arith.constant 0 : i32
    return %arg0, %c0_i32 : i32, i32
  }
  func.func @transform_3(%arg0: i32) -> (i32, i32) {
    %c0_i32 = arith.constant 0 : i32
    %c0_i32_0 = arith.constant 0 : i32
    %c0_i32_1 = arith.constant 0 : i32
    return %c0_i32, %c0_i32_0 : i32, i32
  }
  func.func @transform_4(%arg0: i32) -> i32 {
    %c0_i32 = arith.constant 0 : i32
    %c0_i32_0 = arith.constant 0 : i32
    return %c0_i32 : i32
  }
  func.func @transform_5(%arg0: i32) -> (i32, i32) {
    %c0_i32 = arith.constant 0 : i32
    %c0_i32_0 = arith.constant 0 : i32
    %c0_i32_1 = arith.constant 0 : i32
    return %c0_i32, %c0_i32_0 : i32, i32
  }
  func.func @transform_6(%arg0: i32) -> i32 {
    %c0_i32 = arith.constant 0 : i32
    %c0_i32_0 = arith.constant 0 : i32
    return %c0_i32 : i32
  }
  func.func @transform_7(%arg0: i32) -> (i32, i32) {
    %c0_i32 = arith.constant 0 : i32
    %c0_i32_0 = arith.constant 0 : i32
    %c0_i32_1 = arith.constant 0 : i32
    return %c0_i32, %c0_i32_0 : i32, i32
  }
  func.func @transform_8(%arg0: i32) -> (i32, i32) {
    %c0_i32 = arith.constant 0 : i32
    %c0_i32_0 = arith.constant 0 : i32
    %c0_i32_1 = arith.constant 0 : i32
    return %c0_i32, %c0_i32_0 : i32, i32
  }
  func.func @transform_9(%arg0: i32) -> (i32, i32) {
    %c0_i32 = arith.constant 0 : i32
    %c0_i32_0 = arith.constant 0 : i32
    %c0_i32_1 = arith.constant 0 : i32
    return %c0_i32, %c0_i32_0 : i32, i32
  }
  func.func @transform_10(%arg0: i32) -> (i32, i32) {
    %c0_i32 = arith.constant 0 : i32
    %c0_i32_0 = arith.constant 0 : i32
    %c0_i32_1 = arith.constant 0 : i32
    return %c0_i32, %c0_i32_0 : i32, i32
  }
  func.func @transform_11(%arg0: i32) -> (i32, i32) {
    %c0_i32 = arith.constant 0 : i32
    %c0_i32_0 = arith.constant 0 : i32
    %c0_i32_1 = arith.constant 0 : i32
    return %c0_i32, %c0_i32_0 : i32, i32
  }
  func.func @transform_12(%arg0: i32) -> (i32, i32) {
    %c0_i32 = arith.constant 0 : i32
    %c0_i32_0 = arith.constant 0 : i32
    %c0_i32_1 = arith.constant 0 : i32
    return %c0_i32, %c0_i32_0 : i32, i32
  }
  func.func @transform_13(%arg0: i32) -> (i32, i32) {
    %c0_i32 = arith.constant 0 : i32
    %c0_i32_0 = arith.constant 0 : i32
    return %arg0, %c0_i32 : i32, i32
  }
  func.func @transform_14(%arg0: i32) -> (i32, i32) {
    %c0_i32 = arith.constant 0 : i32
    %c0_i32_0 = arith.constant 0 : i32
    return %arg0, %c0_i32 : i32, i32
  }
  func.func @transform_15(%arg0: i32) -> (i32, i32) {
    %c0_i32 = arith.constant 0 : i32
    %c0_i32_0 = arith.constant 0 : i32
    return %c0_i32, %arg0 : i32, i32
  }
  func.func @transform_16(%arg0: i32) -> (i32, i32) {
    %c0_i32 = arith.constant 0 : i32
    %c0_i32_0 = arith.constant 0 : i32
    return %c0_i32, %arg0 : i32, i32
  }
  func.func @transform_17(%arg0: i32) -> (i32, i32) {
    %c0_i32 = arith.constant 0 : i32
    %c0_i32_0 = arith.constant 0 : i32
    %c0_i32_1 = arith.constant 0 : i32
    return %c0_i32, %c0_i32_0 : i32, i32
  }
}

</mosaic_0001>

<sc_bundles>
// kernel: kernel.4.cloned.1.call-start
scs
__scs_entry_jumppad:
0x0: {  	(pc) =	sbr.rel $0x88, $3  }
0x1: {  	(tag) =	ssettag $0x0;
	lr =	simm.s32 $0x1  }
0x2: {  	[smem:$0x3F94] =	sst lr;
	_ =	strace $0xD0000000  }
0x3: {  	_ = 	snop  }
0x4: {  	_ = 	snop  }
0x5: {  	_ = 	snop  }
0x6: {  	_ = 	snop  }
0x7: {  	_ = 	snop  }
__scs_overlays_trampoline_lowered:
0x8: {  	[smem:$0x3FA3] =	sst s0  }
0x9: {  	[smem:$0x3FA4] =	sst s1  }
0xa: {  	[smem:$0x3FA5] =	sst s2  }
0xb: {  	[smem:$0x3FA6] =	sst s3  }
0xc: {  	[smem:$0x3FA7] =	sst s4  }
0xd: {  	[smem:$0x3FA8] =	sst s5  }
0xe: {  	[smem:$0x3FA9] =	sst s6  }
0xf: {  	[smem:$0x3FAA] =	sst s7  }
0x10: {  	[smem:$0x3FAB] =	sst s8  }
0x11: {  	[smem:$0x3FAC] =	sst s9;
	s0 =	simm.s32 @!p0 $0x0  }
0x12: {  	s1 =	sld [smem:$0x3F92];
	s0 =	simm.s32 @p0 $0x1  }
0x13: {  	[smem:$0x3FAD] =	sst s0;
	s0 =	simm.s32 @!p1 $0x0  }
0x14: {  	s2 =	sld [smem:$0x3F91];
	s0 =	simm.s32 @p1 $0x1  }
0x15: {  	[smem:$0x3FAE] =	sst s0;
	s0 =	simm.s32 @!p2 $0x0  }
0x16: {  	s3 =	sld [smem:$0x3FDB];
	s0 =	simm.s32 @p2 $0x1  }
0x17: {  	s4 =	simm.s32 $0x1BF5;
	[smem:$0x3FB0] =	sst s0  }
0x18: {  	s0 =	sld [smem:$0x3F93];
	_ =	swait.ge [sflag:s4], $0x0  }
0x19: {  	s7 =	sld [smem:$0x3F94]  }
0x1a: {  	s8 =	sadd.s32 $0xFFFFE003, lr  }
0x1b: {  	s9 =	sadd.s32 $0xFFFFFEF7, lr;
	s5 =	simm.s32 $0xFFFFFFFF;
	p2 =	slt.u32 s8, $0xFFFFF086  }
0x1c: {  	p1 =	slt.u32 s9, $0xF7A;
	s5 =	simm.s32 @!p2 $0x0  }
0x1d: {  	s5 =	simm.s32 @p1 $0x1;
	p0 =	seq.s32 s7, s2  }
0x1e: {  	s7 =	smul.u32 @!p0 $0xF7A, s2;
	p2 =	seq.s32 @!p0 s5, $0x0  }
0x1f: {  	s9 =	smul.u32 $0xF7A, s1;
	s8 =	simm.s32 @!p0 $0x1BF5;
	p2 =	por !p2, p0  }
0x20: {  	[sflag:s8] =	ssyncset.s32 @!p0 $0xFFFFF086;
	s6 =	sadd.s32 @!p0 s3, s7;
	s7 =	simm.s32 @!p0 $0x108  }
0x21: {  	s3 =	sadd.s32 s3, s9;
	s6 =	sadd.s32 @!p0 $0x88, s6;
	s7 =	simm.s32 @p2 $0x1082  }
0x22: {  	[simem:s7], [sflag:s8] =	dma.local @!p0 [hbm:s6], $0xF7A  }
0x23: {  	s9 =	sor.u32 $0xD0000000, s2;
	s6 =	simm.s32 $0x108;
	_ =	swait.ge @!p0 [sflag:s8], $0x0  }
0x24: {  	s3 =	sadd.s32 $0x88, s3;
	s6 =	simm.s32 @!p1 $0x1082;
	[sflag:s4] =	ssyncset.s32 $0xFFFFF086  }
0x25: {  	[simem:s6], [sflag:s4] =	dma.local [hbm:s3], $0xF7A  }
0x26: {  	[smem:$0x3F94] =	sst s1;
	(tag) =	ssettag s2;
	_ =	strace s9  }
0x27: {  	s1 =	sld [smem:$0x3FA4]  }
0x28: {  	s2 =	sld [smem:$0x3FA5]  }
0x29: {  	s4 =	sld [smem:$0x3FA7]  }
0x2a: {  	p0 =	seq.s32 s5, $0x0;
	s5 =	sld [smem:$0x3FA8]  }
0x2b: {  	s6 =	sld [smem:$0x3FA9]  }
0x2c: {  	s7 =	sld [smem:$0x3FAA]  }
0x2d: {  	s3 =	simm.s32 $0x108;
	s8 =	sld [smem:$0x3FAB]  }
0x2e: {  	s3 =	simm.s32 @!p0 $0x1082;
	s9 =	sld [smem:$0x3FAC]  }
0x2f: {  	lr =	sadd.s32 s0, s3;
	s0 =	sld [smem:$0x3FA3]  }
0x30: {  	s3 =	sld [smem:$0x3FA6]  }
0x31: {  	[smem:$0x3FAF] =	sst s10  }
0x32: {  	s10 =	sld [smem:$0x3FAD];
	_ =	sdelay $0x3  }
0x33: {  	p0 =	seq.s32 s10, $0x1;
	s10 =	sld [smem:$0x3FAF];
	_ =	sdelay $0x3  }
0x34: {  	[smem:$0x3FAF] =	sst s10  }
0x35: {  	s10 =	sld [smem:$0x3FAE];
	_ =	sdelay $0x3  }
0x36: {  	p1 =	seq.s32 s10, $0x1;
	s10 =	sld [smem:$0x3FAF];
	_ =	sdelay $0x3  }
0x37: {  	[smem:$0x3FAF] =	sst s10  }
0x38: {  	s10 =	sld [smem:$0x3FB0]  }
0x39: {  	_ = 	snop;
	(pc) =	sbr.ind lr, $3  }
0x3a: {  	_ = 	snop  }
0x3b: {  	_ = 	snop  }
0x3c: {  	p2 =	seq.s32 s10, $0x1;
	s10 =	sld [smem:$0x3FAF]  }
0x3d: {  	_ =	shalt  }
0x3e: {  	_ =	shalt  }
0x3f: {  	_ =	shalt  }
0x40: {  	_ =	shalt  }
0x41: {  	_ =	shalt  }
0x42: {  	_ =	shalt  }
0x43: {  	_ =	shalt  }
0x44: {  	_ =	shalt  }
0x45: {  	_ =	shalt  }
0x46: {  	_ =	shalt  }
0x47: {  	_ =	shalt  }
0x48: {  	_ =	shalt  }
0x49: {  	_ =	shalt  }
0x4a: {  	_ =	shalt  }
0x4b: {  	_ =	shalt  }
0x4c: {  	_ =	shalt  }
0x4d: {  	_ =	shalt  }
0x4e: {  	_ =	shalt  }
0x4f: {  	_ =	shalt  }
0x50: {  	_ =	shalt  }
0x51: {  	_ =	shalt  }
0x52: {  	_ =	shalt  }
0x53: {  	_ =	shalt  }
0x54: {  	_ =	shalt  }
0x55: {  	_ =	shalt  }
0x56: {  	_ =	shalt  }
0x57: {  	_ =	shalt  }
0x58: {  	_ =	shalt  }
0x59: {  	_ =	shalt  }
0x5a: {  	_ =	shalt  }
0x5b: {  	_ =	shalt  }
0x5c: {  	_ =	shalt  }
0x5d: {  	_ =	shalt  }
0x5e: {  	_ =	shalt  }
0x5f: {  	_ =	shalt  }
0x60: {  	_ =	shalt  }
0x61: {  	_ =	shalt  }
0x62: {  	_ =	shalt  }
0x63: {  	_ =	shalt  }
0x64: {  	_ =	shalt  }
0x65: {  	_ =	shalt  }
0x66: {  	_ =	shalt  }
0x67: {  	_ =	shalt  }
0x68: {  	_ =	shalt  }
0x69: {  	_ =	shalt  }
0x6a: {  	_ =	shalt  }
0x6b: {  	_ =	shalt  }
0x6c: {  	_ =	shalt  }
0x6d: {  	_ =	shalt  }
0x6e: {  	_ =	shalt  }
0x6f: {  	_ =	shalt  }
0x70: {  	_ =	shalt  }
0x71: {  	_ =	shalt  }
0x72: {  	_ =	shalt  }
0x73: {  	_ =	shalt  }
0x74: {  	_ =	shalt  }
0x75: {  	_ =	shalt  }
0x76: {  	_ =	shalt  }
0x77: {  	_ =	shalt  }
0x78: {  	_ =	shalt  }
0x79: {  	_ =	shalt  }
0x7a: {  	_ =	shalt  }
0x7b: {  	_ =	shalt  }
0x7c: {  	_ =	shalt  }
0x7d: {  	_ =	shalt  }
0x7e: {  	_ =	shalt  }
0x7f: {  	_ =	shalt  }
0x80: {  	_ =	shalt  }
0x81: {  	_ =	shalt  }
0x82: {  	_ =	shalt  }
0x83: {  	_ =	shalt  }
0x84: {  	_ =	shalt  }
0x85: {  	_ =	shalt  }
0x86: {  	_ =	shalt  }
0x87: {  	_ =	shalt  }
.Lfunc_end0:
.L_simem_size_0:
called_computation_lowered:
.L_overlay_start_0:
0x88: {  	s2 =	sld [smem:$0x3FD9]  }
0x89: {  	s3 =	sld [smem:$0x3FFE];
	_ =	sdelay $0x1  }
0x8a: {  	s1 =	srdreg.scid  }
0x8b: {  	s0 =	sand.u32 $0x1, s1  }
0x8c: {  	s14 =	sshll.u32 s0, $0xA;
	s2 =	sadd.s32 s3, s2  }
0x8d: {  	s2 =	sadd.s32 s2, s14  }
0x8e: {  	[smem:$0x3FBB] =	sst s2  }
0x8f: {  	_ = 	snop  }
0x90: {  	s2 =	sld [smem:$0x3FD0];
	_ =	sdelay $0x2  }
0x91: {  	s15 =	simm.s32 $0xA;
	s4 =	simm.s32 $0x10  }
0x92: {  	[smem:s4], [sflag:s15] =	dma.local [hbm:s2], $0x1  }
0x93: {  	_ =	swait.eq [sflag:s15], $0x1  }
0x94: {  	[sflag:s15] =	ssyncset.done $0x0  }
0x95: {  	s16 =	sld [smem:$0x12];
	[sflag:s15] =	ssyncadd.s32 $0xFFFFFFFF  }
0x96: {  	s17 =	sld [smem:$0x13];
	(tm) =	ssettm $0x1  }
0x97: {  	s18 =	sld [smem:$0x3FFB];
	_ =	sdelay $0x3  }
0x98: {  	_ =	strace s18  }
0x99: {  	s4 =	sld [smem:$0x3FFC];
	_ =	sdelay $0x3  }
0x9a: {  	_ =	strace s4  }
0x9b: {  	s4 =	sld [smem:$0x3FFD];
	_ =	sdelay $0x3  }
0x9c: {  	_ =	strace s4  }
0x9d: {  	_ =	strace $0x8FFFFFFF  }
0x9e: {  	s19 =	sld [smem:$0x3FDB];
	_ =	sdelay $0x1  }
0x9f: {  	s5 =	simm.s32 $_scs_section_size  }
0xa0: {  	s6 =	simm.s32 $_size__tile_overlayer_lowered;
	s7 =	simm.s32 $_tile_overlayer_lowered  }
0xa1: {  	s22 =	simm.s32 $0x1BFF;
	s21 =	sshll.u32 s7, $0x1;
	s4 =	sadd.s32 s5, s19  }
0xa2: {  	s8 =	simm.s32 $0x0;
	s20 =	sshll.u32 s6, $0x1;
	s6 =	sadd.s32 s21, s4  }
0xa3: {  	[timem:s8], [sflag:s22] =	dma.local [hbm:s6], s20  }
0xa4: {  	_ =	swait.ge [sflag:s22], s20  }
0xa5: {  	s5 =	ssub.s32 $0x0, s20;
	[sflag:s22] =	ssyncset.done $0x0  }
0xa6: {  	[sflag:s22] =	ssyncadd.s32 s5;
	_ =	sdelay $0x1  }
0xa7: {  	s23 =	simm.s32 $0x1B8B  }
0xa8: {  	_ =	swait.ge [sflag:s23], $0x1  }
0xa9: {  	[sflag:s23] =	ssyncset.done $0x0  }
0xaa: {  	s25 =	simm.s32 $0x1B8E;
	s24 =	sld [smem:$0x3FFE];
	[sflag:s23] =	ssyncadd.s32 $0xFFFFFFFF  }
0xab: {  	s26 =	simm.s32 $execute0_lowered;
	[smem:$0x3FD2] =	sst s25  }
0xac: {  	s6 =	sshll.u32 s26, $0x1;
	_ =	strace $0x80000046;
	[dreg:$0x1] =	wrdreg $0xFFFFFFFF  }
0xad: {  	s28 =	simm.s32 $_size_execute0_lowered;
	s4 =	sadd.s32 s4, s6;
	[dreg:$0x0] =	wrdreg $0x0  }
0xae: {  	s6 =	sshll.u32 s28, $0x1;
	[dreg:$0x2] =	wrdreg s4  }
0xaf: {  	[dreg:$0x3] =	wrdreg s6  }
0xb0: {  	[dreg:$0x4] =	wrdreg $0xC0  }
0xb1: {  	_ =	task [dreg:s8], $0x5FFFF  }
0xb2: {  	[dreg:$0x1] =	wrdreg $0xFFFFFFFF  }
0xb3: {  	[dreg:$0x0] =	wrdreg $0x60  }
0xb4: {  	[dreg:$0x2] =	wrdreg s17  }
0xb5: {  	[dreg:$0x3] =	wrdreg s16  }
0xb6: {  	[dreg:$0x4] =	wrdreg s24  }
0xb7: {  	[dreg:$0x5] =	wrdreg $0x9  }
0xb8: {  	_ =	task.clear_ibuf [dreg:s8], $0x6FFFF;
	_ =	strace $0x90000046  }
0xb9: {  	s29 =	simm.s32 $0x9;
	_ =	strace $0x80000048  }
0xba: {  	_ =	swait.ge [sflag:s29], $0x1  }
0xbb: {  	[sflag:s29] =	ssyncadd.s32 $0xFFFFFFFF  }
0xbc: {  	_ =	strace $0x90000048  }
0xbd: {  	_ =	sfence  }
0xbe: {  	s30 =	sld [smem:$0x0];
	_ =	sdelay $0x2  }
0xbf: {  	s31 =	sshll.u32 s1, $0xD;
	s1 =	sshrl.u32 s1, $0x2  }
0xc0: {  	s3 =	sand.u32 $0x4000, s31;
	s1 =	sadd.s32 s1, s30  }
0xc1: {  	s0 =	sor.u32 s3, s0;
	s1 =	sshll.u32 s1, $0x11  }
0xc2: {  	s0 =	sor.u32 s1, s0  }
0xc3: {  	s0 =	sadd.s32 $0x8F2B, s0  }
0xc4: {  	[sflag:s0] =	ssyncadd.remote.s32 $0x1  }
0xc5: {  	_ =	sfence.sel $0xFFFF  }
0xc6: {  	[dreg:$0x0] =	wrdreg $0xFFFFFFFF;
	(pc) =	sbr.abs _section_cstart, $3  }
0xc7: {  	[dreg:$0x1] =	wrdreg $0xFFFFFFFF  }
0xc8: {  	_ =	task.clear_ibuf [dreg:s8], $0x2FFFF;
	_ =	strace $0x9FFFFFFF  }
0xc9: {  	(tm) =	ssettm $0x7FFFFFFF  }
tec
execute0_lowered:
.L_overlay_start_1:
0x0: {  	(tag) =	ssettag $0x1  }
0x1: {  	s3 =	rddreg [dreg:$0x0]  }
0x2: {  	s0 =	stileid.u32;
	s22 =	rddreg [dreg:$0x1]  }
0x3: {  	s1 =	srdreg.scid;
	s23 =	rddreg [dreg:$0x2];
	s2 =	sshll.u32 s0, $0x1  }
0x4: {  	s6 =	simm.s32 $0x400;
	s24 =	sand.u32 $0x1, s1;
	s2 =	sand.u32 $0x6, s2  }
0x5: {  	s5 =	sshll.u32 s0, $0x8;
	s4 =	sor.u32 s24, s2;
	s2 =	simm.s32 $0x0  }
0x6: {  	s5 =	sand.u32 $0xC00, s5;
	s4 =	sshll.u32 s4, $0x4;
	[smem:$0x7FF] =	sst s2  }
0x7: {  	s1 =	rddreg [dreg:$0x3];
	s25 =	sor.u32 s5, s4;
	_ =	strace $0x80000047  }
0x8: {  	s4 =	simm.s32 $0x80;
	s5 =	simm.s32 $0x1;
	s3 =	sadd.s32 s3, s25  }
0x9: {  	[tilespmem:s2], [sflag:$0x1] =	stream.strided.gather [hbm4b:s3+s4], $0x400, s6, s4, $0x38;
	[tilespmem:$0x480] =	vst v63  }
0xa: {  	_ =	swait.ge [sflag:s5], $0x400  }
0xb: {  	s20 =	sadd.s32 s25, s23;
	[sflag:s5] =	ssyncset.done $0x0  }
0xc: {  	s7 =	sadd.s32 $0x2000, s20;
	[sflag:s5] =	ssyncadd.s32 $0xFFFFFC00  }
0xd: {  	[tilespmem:s6], [sflag:$0x1] =	stream.linear.gather [hbm4b:s7+s2], $0x80, $0x38;
	[tilespmem:$0x480] =	vst v63  }
0xe: {  	_ =	swait.ge [sflag:s5], $0x80  }
0xf: {  	[sflag:s5] =	ssyncset.done $0x0  }
0x10: {  	s8 =	sadd.s32 $0x3000, s23;
	[sflag:s5] =	ssyncadd.s32 $0xFFFFFF80  }
0x11: {  	[hbm4b:s8+s4] =	stream.indirect.scatter [tilespmem:s2], [sflag:$0x1], $0x1, s6, s4, $0xb8;
	[tilespmem:$0x480] =	vst v63  }
0x12: {  	_ =	swait.ge [sflag:s5], $0x80  }
0x13: {  	[sflag:s5] =	ssyncset.done $0x0  }
0x14: {  	s9 =	sadd.s32 $0x2080, s20;
	[sflag:s5] =	ssyncadd.s32 $0xFFFFFF80  }
0x15: {  	[tilespmem:s6], [sflag:$0x1] =	stream.linear.gather [hbm4b:s9+s2], $0x80, $0x38;
	[tilespmem:$0x480] =	vst v63  }
0x16: {  	_ =	swait.ge [sflag:s5], $0x80  }
0x17: {  	[sflag:s5] =	ssyncset.done $0x0  }
0x18: {  	[sflag:s5] =	ssyncadd.s32 $0xFFFFFF80  }
0x19: {  	[hbm4b:s8+s4] =	stream.indirect.scatter [tilespmem:s4], [sflag:$0x1], $0x1, s6, s4, $0xb8;
	[tilespmem:$0x480] =	vst v63  }
0x1a: {  	_ =	swait.ge [sflag:s5], $0x80  }
0x1b: {  	[sflag:s5] =	ssyncset.done $0x0  }
0x1c: {  	s10 =	sadd.s32 $0x2100, s20;
	[sflag:s5] =	ssyncadd.s32 $0xFFFFFF80  }
0x1d: {  	[tilespmem:s6], [sflag:$0x1] =	stream.linear.gather [hbm4b:s10+s2], $0x80, $0x38;
	[tilespmem:$0x480] =	vst v63  }
0x1e: {  	_ =	swait.ge [sflag:s5], $0x80  }
0x1f: {  	[sflag:s5] =	ssyncset.done $0x0  }
0x20: {  	s11 =	simm.s32 $0x100;
	[sflag:s5] =	ssyncadd.s32 $0xFFFFFF80  }
0x21: {  	[hbm4b:s8+s4] =	stream.indirect.scatter [tilespmem:s11], [sflag:$0x1], $0x1, s6, s4, $0xb8;
	[tilespmem:$0x480] =	vst v63  }
0x22: {  	_ =	swait.ge [sflag:s5], $0x80  }
0x23: {  	[sflag:s5] =	ssyncset.done $0x0  }
0x24: {  	s12 =	sadd.s32 $0x2180, s20;
	[sflag:s5] =	ssyncadd.s32 $0xFFFFFF80  }
0x25: {  	[tilespmem:s6], [sflag:$0x1] =	stream.linear.gather [hbm4b:s12+s2], $0x80, $0x38;
	[tilespmem:$0x480] =	vst v63  }
0x26: {  	_ =	swait.ge [sflag:s5], $0x80  }
0x27: {  	[sflag:s5] =	ssyncset.done $0x0  }
0x28: {  	s13 =	simm.s32 $0x180;
	[sflag:s5] =	ssyncadd.s32 $0xFFFFFF80  }
0x29: {  	[hbm4b:s8+s4] =	stream.indirect.scatter [tilespmem:s13], [sflag:$0x1], $0x1, s6, s4, $0xb8;
	[tilespmem:$0x480] =	vst v63  }
0x2a: {  	_ =	swait.ge [sflag:s5], $0x80  }
0x2b: {  	[sflag:s5] =	ssyncset.done $0x0  }
0x2c: {  	s14 =	sadd.s32 $0x2200, s20;
	[sflag:s5] =	ssyncadd.s32 $0xFFFFFF80  }
0x2d: {  	[tilespmem:s6], [sflag:$0x1] =	stream.linear.gather [hbm4b:s14+s2], $0x80, $0x38;
	[tilespmem:$0x480] =	vst v63  }
0x2e: {  	_ =	swait.ge [sflag:s5], $0x80  }
0x2f: {  	[sflag:s5] =	ssyncset.done $0x0  }
0x30: {  	s15 =	simm.s32 $0x200;
	[sflag:s5] =	ssyncadd.s32 $0xFFFFFF80  }
0x31: {  	[hbm4b:s8+s4] =	stream.indirect.scatter [tilespmem:s15], [sflag:$0x1], $0x1, s6, s4, $0xb8;
	[tilespmem:$0x480] =	vst v63  }
0x32: {  	_ =	swait.ge [sflag:s5], $0x80  }
0x33: {  	[sflag:s5] =	ssyncset.done $0x0  }
0x34: {  	s16 =	sadd.s32 $0x2280, s20;
	[sflag:s5] =	ssyncadd.s32 $0xFFFFFF80  }
0x35: {  	[tilespmem:s6], [sflag:$0x1] =	stream.linear.gather [hbm4b:s16+s2], $0x80, $0x38;
	[tilespmem:$0x480] =	vst v63  }
0x36: {  	_ =	swait.ge [sflag:s5], $0x80  }
0x37: {  	[sflag:s5] =	ssyncset.done $0x0  }
0x38: {  	s17 =	simm.s32 $0x280;
	[sflag:s5] =	ssyncadd.s32 $0xFFFFFF80  }
0x39: {  	[hbm4b:s8+s4] =	stream.indirect.scatter [tilespmem:s17], [sflag:$0x1], $0x1, s6, s4, $0xb8;
	[tilespmem:$0x480] =	vst v63  }
0x3a: {  	_ =	swait.ge [sflag:s5], $0x80  }
0x3b: {  	[sflag:s5] =	ssyncset.done $0x0  }
0x3c: {  	s18 =	sadd.s32 $0x2300, s20;
	[sflag:s5] =	ssyncadd.s32 $0xFFFFFF80  }
0x3d: {  	[tilespmem:s6], [sflag:$0x1] =	stream.linear.gather [hbm4b:s18+s2], $0x80, $0x38;
	[tilespmem:$0x480] =	vst v63  }
0x3e: {  	_ =	swait.ge [sflag:s5], $0x80  }
0x3f: {  	[sflag:s5] =	ssyncset.done $0x0  }
0x40: {  	s19 =	simm.s32 $0x300;
	[sflag:s5] =	ssyncadd.s32 $0xFFFFFF80  }
0x41: {  	[hbm4b:s8+s4] =	stream.indirect.scatter [tilespmem:s19], [sflag:$0x1], $0x1, s6, s4, $0xb8;
	[tilespmem:$0x480] =	vst v63  }
0x42: {  	_ =	swait.ge [sflag:s5], $0x80  }
0x43: {  	[sflag:s5] =	ssyncset.done $0x0  }
0x44: {  	s20 =	sadd.s32 $0x2380, s20;
	[sflag:s5] =	ssyncadd.s32 $0xFFFFFF80  }
0x45: {  	[tilespmem:s6], [sflag:$0x1] =	stream.linear.gather [hbm4b:s20+s2], $0x80, $0x38;
	[tilespmem:$0x480] =	vst v63  }
0x46: {  	_ =	swait.ge [sflag:s5], $0x80  }
0x47: {  	[sflag:s5] =	ssyncset.done $0x0  }
0x48: {  	s21 =	simm.s32 $0x380;
	[sflag:s5] =	ssyncadd.s32 $0xFFFFFF80  }
0x49: {  	[hbm4b:s8+s4] =	stream.indirect.scatter [tilespmem:s21], [sflag:$0x1], $0x1, s6, s4, $0xb8;
	[tilespmem:$0x480] =	vst v63  }
0x4a: {  	_ =	swait.ge [sflag:s5], $0x80  }
0x4b: {  	[sflag:s5] =	ssyncset.done $0x0  }
0x4c: {  	s22 =	sadd.s32 s22, s25;
	[sflag:s5] =	ssyncadd.s32 $0xFFFFFF80  }
0x4d: {  	[tilespmem:s2], [sflag:$0x1] =	stream.strided.gather [hbm4b:s22+s4], $0x400, s6, s4, $0x38;
	[tilespmem:$0x480] =	vst v63  }
0x4e: {  	_ =	swait.ge [sflag:s5], $0x400  }
0x4f: {  	[sflag:s5] =	ssyncset.done $0x0  }
0x50: {  	[sflag:s5] =	ssyncadd.s32 $0xFFFFFC00  }
0x51: {  	[tilespmem:s6], [sflag:$0x1] =	stream.linear.gather [hbm4b:s7+s2], $0x80, $0x38;
	[tilespmem:$0x480] =	vst v63  }
0x52: {  	_ =	swait.ge [sflag:s5], $0x80  }
0x53: {  	[sflag:s5] =	ssyncset.done $0x0  }
0x54: {  	s23 =	sadd.s32 $0x4000, s23;
	[sflag:s5] =	ssyncadd.s32 $0xFFFFFF80  }
0x55: {  	[hbm4b:s23+s4] =	stream.indirect.scatter [tilespmem:s2], [sflag:$0x1], $0x1, s6, s4, $0xb8;
	[tilespmem:$0x480] =	vst v63  }
0x56: {  	_ =	swait.ge [sflag:s5], $0x80  }
0x57: {  	[sflag:s5] =	ssyncset.done $0x0  }
0x58: {  	[sflag:s5] =	ssyncadd.s32 $0xFFFFFF80  }
0x59: {  	[tilespmem:s6], [sflag:$0x1] =	stream.linear.gather [hbm4b:s9+s2], $0x80, $0x38;
	[tilespmem:$0x480] =	vst v63  }
0x5a: {  	_ =	swait.ge [sflag:s5], $0x80  }
0x5b: {  	[sflag:s5] =	ssyncset.done $0x0  }
0x5c: {  	[sflag:s5] =	ssyncadd.s32 $0xFFFFFF80  }
0x5d: {  	[hbm4b:s23+s4] =	stream.indirect.scatter [tilespmem:s4], [sflag:$0x1], $0x1, s6, s4, $0xb8;
	[tilespmem:$0x480] =	vst v63  }
0x5e: {  	_ =	swait.ge [sflag:s5], $0x80  }
0x5f: {  	[sflag:s5] =	ssyncset.done $0x0  }
0x60: {  	[sflag:s5] =	ssyncadd.s32 $0xFFFFFF80  }
0x61: {  	[tilespmem:s6], [sflag:$0x1] =	stream.linear.gather [hbm4b:s10+s2], $0x80, $0x38;
	[tilespmem:$0x480] =	vst v63  }
0x62: {  	_ =	swait.ge [sflag:s5], $0x80  }
0x63: {  	[sflag:s5] =	ssyncset.done $0x0  }
0x64: {  	[sflag:s5] =	ssyncadd.s32 $0xFFFFFF80  }
0x65: {  	[hbm4b:s23+s4] =	stream.indirect.scatter [tilespmem:s11], [sflag:$0x1], $0x1, s6, s4, $0xb8;
	[tilespmem:$0x480] =	vst v63  }
0x66: {  	_ =	swait.ge [sflag:s5], $0x80  }
0x67: {  	[sflag:s5] =	ssyncset.done $0x0  }
0x68: {  	[sflag:s5] =	ssyncadd.s32 $0xFFFFFF80  }
0x69: {  	[tilespmem:s6], [sflag:$0x1] =	stream.linear.gather [hbm4b:s12+s2], $0x80, $0x38;
	[tilespmem:$0x480] =	vst v63  }
0x6a: {  	_ =	swait.ge [sflag:s5], $0x80  }
0x6b: {  	[sflag:s5] =	ssyncset.done $0x0  }
0x6c: {  	[sflag:s5] =	ssyncadd.s32 $0xFFFFFF80  }
0x6d: {  	[hbm4b:s23+s4] =	stream.indirect.scatter [tilespmem:s13], [sflag:$0x1], $0x1, s6, s4, $0xb8;
	[tilespmem:$0x480] =	vst v63  }
0x6e: {  	_ =	swait.ge [sflag:s5], $0x80  }
0x6f: {  	[sflag:s5] =	ssyncset.done $0x0  }
0x70: {  	[sflag:s5] =	ssyncadd.s32 $0xFFFFFF80  }
0x71: {  	[tilespmem:s6], [sflag:$0x1] =	stream.linear.gather [hbm4b:s14+s2], $0x80, $0x38;
	[tilespmem:$0x480] =	vst v63  }
0x72: {  	_ =	swait.ge [sflag:s5], $0x80  }
0x73: {  	[sflag:s5] =	ssyncset.done $0x0  }
0x74: {  	[sflag:s5] =	ssyncadd.s32 $0xFFFFFF80  }
0x75: {  	[hbm4b:s23+s4] =	stream.indirect.scatter [tilespmem:s15], [sflag:$0x1], $0x1, s6, s4, $0xb8;
	[tilespmem:$0x480] =	vst v63  }
0x76: {  	_ =	swait.ge [sflag:s5], $0x80  }
0x77: {  	[sflag:s5] =	ssyncset.done $0x0  }
0x78: {  	[sflag:s5] =	ssyncadd.s32 $0xFFFFFF80  }
0x79: {  	[tilespmem:s6], [sflag:$0x1] =	stream.linear.gather [hbm4b:s16+s2], $0x80, $0x38;
	[tilespmem:$0x480] =	vst v63  }
0x7a: {  	_ =	swait.ge [sflag:s5], $0x80  }
0x7b: {  	[sflag:s5] =	ssyncset.done $0x0  }
0x7c: {  	[sflag:s5] =	ssyncadd.s32 $0xFFFFFF80  }
0x7d: {  	[hbm4b:s23+s4] =	stream.indirect.scatter [tilespmem:s17], [sflag:$0x1], $0x1, s6, s4, $0xb8;
	[tilespmem:$0x480] =	vst v63  }
0x7e: {  	_ =	swait.ge [sflag:s5], $0x80  }
0x7f: {  	[sflag:s5] =	ssyncset.done $0x0  }
0x80: {  	[sflag:s5] =	ssyncadd.s32 $0xFFFFFF80  }
0x81: {  	[tilespmem:s6], [sflag:$0x1] =	stream.linear.gather [hbm4b:s18+s2], $0x80, $0x38;
	[tilespmem:$0x480] =	vst v63  }
0x82: {  	_ =	swait.ge [sflag:s5], $0x80  }
0x83: {  	[sflag:s5] =	ssyncset.done $0x0  }
0x84: {  	s24 =	ssub.s32 $0x2, s24;
	[sflag:s5] =	ssyncadd.s32 $0xFFFFFF80  }
0x85: {  	[hbm4b:s23+s4] =	stream.indirect.scatter [tilespmem:s19], [sflag:$0x1], $0x1, s6, s4, $0xb8;
	[tilespmem:$0x480] =	vst v63  }
0x86: {  	s31 =	sshrl.u32 s24, $0x1;
	_ =	swait.ge [sflag:s5], $0x80  }
0x87: {  	s24 =	ssub.s32 s24, s31;
	[sflag:s5] =	ssyncset.done $0x0  }
0x88: {  	s24 =	smax.u32 s24, $0x1;
	[sflag:s5] =	ssyncadd.s32 $0xFFFFFF80  }
0x89: {  	[tilespmem:s6], [sflag:$0x1] =	stream.linear.gather [hbm4b:s20+s2], $0x80, $0x38;
	[tilespmem:$0x480] =	vst v63  }
0x8a: {  	p0 =	sne.s32 s24, $0x1;
	_ =	swait.ge [sflag:s5], $0x80  }
.Ltmp0:
0x8b: {  	[sflag:s5] =	ssyncset.done $0x0;
	(pc) =	sbr.rel @!p0 .LBB2_2-.Ltmp0, $4  }
0x8c: {  	[sflag:s5] =	ssyncadd.s32 $0xFFFFFF80  }
0x8d: {  	[hbm4b:s23+s4] =	stream.indirect.scatter [tilespmem:s21], [sflag:$0x1], $0x1, s6, s4, $0xb8;
	[tilespmem:$0x480] =	vst v63  }
0x8e: {  	_ =	swait.ge [sflag:s5], $0x80  }
0x8f: {  	s24 =	sadd.s32 $0xFFFFFFFF, s24;
	[sflag:s5] =	ssyncset.done $0x0  }
.LBB2_1:
0x90: {  	p0 =	sne.s32 s24, $0x1;
	s24 =	sadd.s32 $0xFFFFFFFF, s24;
	[sflag:s5] =	ssyncadd.s32 $0xFFFFFF80  }
0x91: {  	[tilespmem:s2], [sflag:$0x1] =	stream.strided.gather [hbm4b:s3+s4], $0x400, s6, s4, $0x38;
	[tilespmem:$0x480] =	vst v63  }
0x92: {  	_ =	swait.ge [sflag:s5], $0x400  }
0x93: {  	[sflag:s5] =	ssyncset.done $0x0  }
0x94: {  	[sflag:s5] =	ssyncadd.s32 $0xFFFFFC00  }
0x95: {  	[tilespmem:s6], [sflag:$0x1] =	stream.linear.gather [hbm4b:s7+s2], $0x80, $0x38;
	[tilespmem:$0x480] =	vst v63  }
0x96: {  	_ =	swait.ge [sflag:s5], $0x80  }
0x97: {  	[sflag:s5] =	ssyncset.done $0x0  }
0x98: {  	[sflag:s5] =	ssyncadd.s32 $0xFFFFFF80  }
0x99: {  	[hbm4b:s8+s4] =	stream.indirect.scatter [tilespmem:s2], [sflag:$0x1], $0x1, s6, s4, $0xb8;
	[tilespmem:$0x480] =	vst v63  }
0x9a: {  	_ =	swait.ge [sflag:s5], $0x80  }
0x9b: {  	[sflag:s5] =	ssyncset.done $0x0  }
0x9c: {  	[sflag:s5] =	ssyncadd.s32 $0xFFFFFF80  }
0x9d: {  	[tilespmem:s6], [sflag:$0x1] =	stream.linear.gather [hbm4b:s9+s2], $0x80, $0x38;
	[tilespmem:$0x480] =	vst v63  }
0x9e: {  	_ =	swait.ge [sflag:s5], $0x80  }
0x9f: {  	[sflag:s5] =	ssyncset.done $0x0  }
0xa0: {  	[sflag:s5] =	ssyncadd.s32 $0xFFFFFF80  }
0xa1: {  	[hbm4b:s8+s4] =	stream.indirect.scatter [tilespmem:s4], [sflag:$0x1], $0x1, s6, s4, $0xb8;
	[tilespmem:$0x480] =	vst v63  }
0xa2: {  	_ =	swait.ge [sflag:s5], $0x80  }
0xa3: {  	[sflag:s5] =	ssyncset.done $0x0  }
0xa4: {  	[sflag:s5] =	ssyncadd.s32 $0xFFFFFF80  }
0xa5: {  	[tilespmem:s6], [sflag:$0x1] =	stream.linear.gather [hbm4b:s10+s2], $0x80, $0x38;
	[tilespmem:$0x480] =	vst v63  }
0xa6: {  	_ =	swait.ge [sflag:s5], $0x80  }
0xa7: {  	[sflag:s5] =	ssyncset.done $0x0  }
0xa8: {  	[sflag:s5] =	ssyncadd.s32 $0xFFFFFF80  }
0xa9: {  	[hbm4b:s8+s4] =	stream.indirect.scatter [tilespmem:s11], [sflag:$0x1], $0x1, s6, s4, $0xb8;
	[tilespmem:$0x480] =	vst v63  }
0xaa: {  	_ =	swait.ge [sflag:s5], $0x80  }
0xab: {  	[sflag:s5] =	ssyncset.done $0x0  }
0xac: {  	[sflag:s5] =	ssyncadd.s32 $0xFFFFFF80  }
0xad: {  	[tilespmem:s6], [sflag:$0x1] =	stream.linear.gather [hbm4b:s12+s2], $0x80, $0x38;
	[tilespmem:$0x480] =	vst v63  }
0xae: {  	_ =	swait.ge [sflag:s5], $0x80  }
0xaf: {  	[sflag:s5] =	ssyncset.done $0x0  }
0xb0: {  	[sflag:s5] =	ssyncadd.s32 $0xFFFFFF80  }
0xb1: {  	[hbm4b:s8+s4] =	stream.indirect.scatter [tilespmem:s13], [sflag:$0x1], $0x1, s6, s4, $0xb8;
	[tilespmem:$0x480] =	vst v63  }
0xb2: {  	_ =	swait.ge [sflag:s5], $0x80  }
0xb3: {  	[sflag:s5] =	ssyncset.done $0x0  }
0xb4: {  	[sflag:s5] =	ssyncadd.s32 $0xFFFFFF80  }
0xb5: {  	[tilespmem:s6], [sflag:$0x1] =	stream.linear.gather [hbm4b:s14+s2], $0x80, $0x38;
	[tilespmem:$0x480] =	vst v63  }
0xb6: {  	_ =	swait.ge [sflag:s5], $0x80  }
0xb7: {  	[sflag:s5] =	ssyncset.done $0x0  }
0xb8: {  	[sflag:s5] =	ssyncadd.s32 $0xFFFFFF80  }
0xb9: {  	[hbm4b:s8+s4] =	stream.indirect.scatter [tilespmem:s15], [sflag:$0x1], $0x1, s6, s4, $0xb8;
	[tilespmem:$0x480] =	vst v63  }
0xba: {  	_ =	swait.ge [sflag:s5], $0x80  }
0xbb: {  	[sflag:s5] =	ssyncset.done $0x0  }
0xbc: {  	[sflag:s5] =	ssyncadd.s32 $0xFFFFFF80  }
0xbd: {  	[tilespmem:s6], [sflag:$0x1] =	stream.linear.gather [hbm4b:s16+s2], $0x80, $0x38;
	[tilespmem:$0x480] =	vst v63  }
0xbe: {  	_ =	swait.ge [sflag:s5], $0x80  }
0xbf: {  	[sflag:s5] =	ssyncset.done $0x0  }
0xc0: {  	[sflag:s5] =	ssyncadd.s32 $0xFFFFFF80  }
0xc1: {  	[hbm4b:s8+s4] =	stream.indirect.scatter [tilespmem:s17], [sflag:$0x1], $0x1, s6, s4, $0xb8;
	[tilespmem:$0x480] =	vst v63  }
0xc2: {  	_ =	swait.ge [sflag:s5], $0x80  }
0xc3: {  	[sflag:s5] =	ssyncset.done $0x0  }
0xc4: {  	[sflag:s5] =	ssyncadd.s32 $0xFFFFFF80  }
0xc5: {  	[tilespmem:s6], [sflag:$0x1] =	stream.linear.gather [hbm4b:s18+s2], $0x80, $0x38;
	[tilespmem:$0x480] =	vst v63  }
0xc6: {  	_ =	swait.ge [sflag:s5], $0x80  }
0xc7: {  	[sflag:s5] =	ssyncset.done $0x0  }
0xc8: {  	[sflag:s5] =	ssyncadd.s32 $0xFFFFFF80  }
0xc9: {  	[hbm4b:s8+s4] =	stream.indirect.scatter [tilespmem:s19], [sflag:$0x1], $0x1, s6, s4, $0xb8;
	[tilespmem:$0x480] =	vst v63  }
0xca: {  	_ =	swait.ge [sflag:s5], $0x80  }
0xcb: {  	[sflag:s5] =	ssyncset.done $0x0  }
0xcc: {  	[sflag:s5] =	ssyncadd.s32 $0xFFFFFF80  }
0xcd: {  	[tilespmem:s6], [sflag:$0x1] =	stream.linear.gather [hbm4b:s20+s2], $0x80, $0x38;
	[tilespmem:$0x480] =	vst v63  }
0xce: {  	_ =	swait.ge [sflag:s5], $0x80  }
0xcf: {  	[sflag:s5] =	ssyncset.done $0x0  }
0xd0: {  	[sflag:s5] =	ssyncadd.s32 $0xFFFFFF80  }
0xd1: {  	[hbm4b:s8+s4] =	stream.indirect.scatter [tilespmem:s21], [sflag:$0x1], $0x1, s6, s4, $0xb8;
	[tilespmem:$0x480] =	vst v63  }
0xd2: {  	_ =	swait.ge [sflag:s5], $0x80  }
0xd3: {  	[sflag:s5] =	ssyncset.done $0x0  }
0xd4: {  	[sflag:s5] =	ssyncadd.s32 $0xFFFFFF80  }
0xd5: {  	[tilespmem:s2], [sflag:$0x1] =	stream.strided.gather [hbm4b:s22+s4], $0x400, s6, s4, $0x38;
	[tilespmem:$0x480] =	vst v63  }
0xd6: {  	_ =	swait.ge [sflag:s5], $0x400  }
0xd7: {  	[sflag:s5] =	ssyncset.done $0x0  }
0xd8: {  	[sflag:s5] =	ssyncadd.s32 $0xFFFFFC00  }
0xd9: {  	[tilespmem:s6], [sflag:$0x1] =	stream.linear.gather [hbm4b:s7+s2], $0x80, $0x38;
	[tilespmem:$0x480] =	vst v63  }
0xda: {  	_ =	swait.ge [sflag:s5], $0x80  }
0xdb: {  	[sflag:s5] =	ssyncset.done $0x0  }
0xdc: {  	[sflag:s5] =	ssyncadd.s32 $0xFFFFFF80  }
0xdd: {  	[hbm4b:s23+s4] =	stream.indirect.scatter [tilespmem:s2], [sflag:$0x1], $0x1, s6, s4, $0xb8;
	[tilespmem:$0x480] =	vst v63  }
0xde: {  	_ =	swait.ge [sflag:s5], $0x80  }
0xdf: {  	[sflag:s5] =	ssyncset.done $0x0  }
0xe0: {  	[sflag:s5] =	ssyncadd.s32 $0xFFFFFF80  }
0xe1: {  	[tilespmem:s6], [sflag:$0x1] =	stream.linear.gather [hbm4b:s9+s2], $0x80, $0x38;
	[tilespmem:$0x480] =	vst v63  }
0xe2: {  	_ =	swait.ge [sflag:s5], $0x80  }
0xe3: {  	[sflag:s5] =	ssyncset.done $0x0  }
0xe4: {  	[sflag:s5] =	ssyncadd.s32 $0xFFFFFF80  }
0xe5: {  	[hbm4b:s23+s4] =	stream.indirect.scatter [tilespmem:s4], [sflag:$0x1], $0x1, s6, s4, $0xb8;
	[tilespmem:$0x480] =	vst v63  }
0xe6: {  	_ =	swait.ge [sflag:s5], $0x80  }
0xe7: {  	[sflag:s5] =	ssyncset.done $0x0  }
0xe8: {  	[sflag:s5] =	ssyncadd.s32 $0xFFFFFF80  }
0xe9: {  	[tilespmem:s6], [sflag:$0x1] =	stream.linear.gather [hbm4b:s10+s2], $0x80, $0x38;
	[tilespmem:$0x480] =	vst v63  }
0xea: {  	_ =	swait.ge [sflag:s5], $0x80  }
0xeb: {  	[sflag:s5] =	ssyncset.done $0x0  }
0xec: {  	[sflag:s5] =	ssyncadd.s32 $0xFFFFFF80  }
0xed: {  	[hbm4b:s23+s4] =	stream.indirect.scatter [tilespmem:s11], [sflag:$0x1], $0x1, s6, s4, $0xb8;
	[tilespmem:$0x480] =	vst v63  }
0xee: {  	_ =	swait.ge [sflag:s5], $0x80  }
0xef: {  	[sflag:s5] =	ssyncset.done $0x0  }
0xf0: {  	[sflag:s5] =	ssyncadd.s32 $0xFFFFFF80  }
0xf1: {  	[tilespmem:s6], [sflag:$0x1] =	stream.linear.gather [hbm4b:s12+s2], $0x80, $0x38;
	[tilespmem:$0x480] =	vst v63  }
0xf2: {  	_ =	swait.ge [sflag:s5], $0x80  }
0xf3: {  	[sflag:s5] =	ssyncset.done $0x0  }
0xf4: {  	[sflag:s5] =	ssyncadd.s32 $0xFFFFFF80  }
0xf5: {  	[hbm4b:s23+s4] =	stream.indirect.scatter [tilespmem:s13], [sflag:$0x1], $0x1, s6, s4, $0xb8;
	[tilespmem:$0x480] =	vst v63  }
0xf6: {  	_ =	swait.ge [sflag:s5], $0x80  }
0xf7: {  	[sflag:s5] =	ssyncset.done $0x0  }
0xf8: {  	[sflag:s5] =	ssyncadd.s32 $0xFFFFFF80  }
0xf9: {  	[tilespmem:s6], [sflag:$0x1] =	stream.linear.gather [hbm4b:s14+s2], $0x80, $0x38;
	[tilespmem:$0x480] =	vst v63  }
0xfa: {  	_ =	swait.ge [sflag:s5], $0x80  }
0xfb: {  	[sflag:s5] =	ssyncset.done $0x0  }
0xfc: {  	[sflag:s5] =	ssyncadd.s32 $0xFFFFFF80  }
0xfd: {  	[hbm4b:s23+s4] =	stream.indirect.scatter [tilespmem:s15], [sflag:$0x1], $0x1, s6, s4, $0xb8;
	[tilespmem:$0x480] =	vst v63  }
0xfe: {  	_ =	swait.ge [sflag:s5], $0x80  }
0xff: {  	[sflag:s5] =	ssyncset.done $0x0  }
0x100: {  	[sflag:s5] =	ssyncadd.s32 $0xFFFFFF80  }
0x101: {  	[tilespmem:s6], [sflag:$0x1] =	stream.linear.gather [hbm4b:s16+s2], $0x80, $0x38;
	[tilespmem:$0x480] =	vst v63  }
0x102: {  	_ =	swait.ge [sflag:s5], $0x80  }
0x103: {  	[sflag:s5] =	ssyncset.done $0x0  }
0x104: {  	[sflag:s5] =	ssyncadd.s32 $0xFFFFFF80  }
0x105: {  	[hbm4b:s23+s4] =	stream.indirect.scatter [tilespmem:s17], [sflag:$0x1], $0x1, s6, s4, $0xb8;
	[tilespmem:$0x480] =	vst v63  }
0x106: {  	_ =	swait.ge [sflag:s5], $0x80  }
0x107: {  	[sflag:s5] =	ssyncset.done $0x0  }
0x108: {  	[sflag:s5] =	ssyncadd.s32 $0xFFFFFF80  }
0x109: {  	[tilespmem:s6], [sflag:$0x1] =	stream.linear.gather [hbm4b:s18+s2], $0x80, $0x38;
	[tilespmem:$0x480] =	vst v63  }
0x10a: {  	_ =	swait.ge [sflag:s5], $0x80  }
0x10b: {  	[sflag:s5] =	ssyncset.done $0x0  }
0x10c: {  	[sflag:s5] =	ssyncadd.s32 $0xFFFFFF80  }
0x10d: {  	[hbm4b:s23+s4] =	stream.indirect.scatter [tilespmem:s19], [sflag:$0x1], $0x1, s6, s4, $0xb8;
	[tilespmem:$0x480] =	vst v63  }
0x10e: {  	_ =	swait.ge [sflag:s5], $0x80  }
0x10f: {  	[sflag:s5] =	ssyncset.done $0x0  }
0x110: {  	[sflag:s5] =	ssyncadd.s32 $0xFFFFFF80  }
0x111: {  	[tilespmem:s6], [sflag:$0x1] =	stream.linear.gather [hbm4b:s20+s2], $0x80, $0x38;
	[tilespmem:$0x480] =	vst v63  }
0x112: {  	_ =	swait.ge [sflag:s5], $0x80  }
.Ltmp1:
0x113: {  	[sflag:s5] =	ssyncset.done $0x0;
	(pc) =	sbr.rel @p0 .LBB2_1-.Ltmp1, $4  }
0x114: {  	[sflag:s5] =	ssyncadd.s32 $0xFFFFFF80  }
0x115: {  	[hbm4b:s23+s4] =	stream.indirect.scatter [tilespmem:s21], [sflag:$0x1], $0x1, s6, s4, $0xb8;
	[tilespmem:$0x480] =	vst v63  }
0x116: {  	_ =	swait.ge [sflag:s5], $0x80  }
0x117: {  	[sflag:s5] =	ssyncset.done $0x0  }
.LBB2_2:
0x118: {  	[sflag:s5] =	ssyncadd.s32 $0xFFFFFF80  }
0x119: {  	_ =	sfence.sel $0x180000  }
0x11a: {  	[bflag:$0x0] =	sbarrier.arrive $0xFFFF  }
0x11b: {  	p0 =	sne.s32 s0, $0x0;
	_ =	strace $0x90000047  }
0x11c: {  	s0 =	sadd.s32 @!p0 $0x100000, s1;
	[bflag:$0x2] =	sbarrier.arrive $0xFFFF  }
0x11d: {  	[sflag:s0] =	ssyncadd.tile.s32 @!p0 $0x1;
	_ =	shalt  }
.Lfunc_end2:
_tile_overlayer_lowered:
.L_overlay_start_2:
0x11e: {  	(tag) =	ssettag $0x2  }
0x11f: {  	s0 =	rddreg [dreg:$0x0];
	s2 =	stileid.u32  }
0x120: {  	s1 =	rddreg [dreg:$0x1];
	p0 =	sne.s32 s2, $0x0  }
0x121: {  	s3 =	rddreg [dreg:$0x2];
	[bflag:$0x3] =	sbarrier.arrive $0xFFFF;
	s2 =	simm.s32 @!p0 $0x1C01  }
0x122: {  	[timem:s3], [sflag:s2] =	dma.local @!p0 [hbm:s0], s1  }
0x123: {  	s0 =	simm.s32 @!p0 $0x1  }
0x124: {  	_ =	swait.ge @!p0 [sflag:s0], s1  }
0x125: {  	s1 =	ssub.s32 @!p0 $0x0, s1;
	[sflag:s0] =	ssyncset.done @!p0 $0x0  }
0x126: {  	[sflag:s0] =	ssyncadd.s32 @!p0 s1  }
0x127: {  	[bflag:$0x3] =	sbarrier.arrive $0xFFFF  }
0x128: {  	_ =	shalt  }

</sc_bundles>
